<compile_context>
chip_gen: v7x
topology: tpu7x:2x2x1
jax: 0.10.2.dev20260603
libtpu: 0.0.44.dev20260713+nightly
codegen_flags: <defaults>
</compile_context>

<pallas_src>
import functools

import jax
import jax.numpy as jnp
from jax import lax
from jax.experimental import pallas as pl
from jax.experimental.pallas import tpu as pltpu
from jax.experimental.pallas import tpu_sc as plsc



_BM = 256


def _gcn_body(np_, adj_ref, feat_ref, w_ref, b_ref, xt_ref, support_ref):
    i = pl.program_id(0)

    @pl.when(i == 0)
    def _():
        support_ref[...] = jnp.dot(
            feat_ref[...], w_ref[...], preferred_element_type=jnp.float32
        )

    acc = jnp.dot(adj_ref[...], support_ref[...], preferred_element_type=jnp.float32)
    xt_blk = jnp.tanh(acc + b_ref[...]).T
    emb = xt_blk.shape[0]
    for d in range(emb):
        xt_ref[pl.ds(d * np_ + i * _BM, _BM)] = xt_blk[d]


def _gcn_xt(feature, adj, W, b, np_):
    n, feat = feature.shape
    emb = W.shape[1]
    grid = (n + _BM - 1) // _BM
    return pl.pallas_call(
        functools.partial(_gcn_body, np_),
        grid=(grid,),
        in_specs=[
            pl.BlockSpec((_BM, n), lambda i: (i, 0)),
            pl.BlockSpec((n, feat), lambda i: (0, 0)),
            pl.BlockSpec((feat, emb), lambda i: (0, 0)),
            pl.BlockSpec((1, emb), lambda i: (0, 0)),
        ],
        out_specs=pl.BlockSpec((emb * np_,), lambda i: (0,)),
        out_shape=jax.ShapeDtypeStruct((emb * np_,), jnp.float32),
        scratch_shapes=[pltpu.VMEM((n, emb), jnp.float32)],
    )(adj, feature, W, b.reshape(1, emb))



_L = 16


def _make_fm(n, emb, batch):
    info = plsc.get_sparse_core_info()
    nc, ns = info.num_cores, info.num_subcores
    d_per_t = emb // ns
    bh = batch // nc
    sl = bh // ns
    nvec = bh // _L

    mesh = plsc.VectorSubcoreMesh(core_axis_name="c", subcore_axis_name="s")

    @functools.partial(
        pl.kernel,
        mesh=mesh,
        compiler_params=pltpu.CompilerParams(needs_layout_passes=False),
        out_type=(
            jax.ShapeDtypeStruct((batch,), jnp.float32),
            jax.ShapeDtypeStruct((batch,), jnp.float32),
        ),
        scratch_types=[
            pltpu.VMEM((d_per_t * n,), jnp.float32),
            pltpu.VMEM((bh,), jnp.int32),
            pltpu.VMEM((bh,), jnp.int32),
            pltpu.VMEM((bh,), jnp.int32),
            pltpu.VMEM((bh,), jnp.float32),
            pltpu.VMEM((bh,), jnp.float32),
            pltpu.VMEM((sl,), jnp.float32),
            pltpu.VMEM((sl,), jnp.float32),
            pltpu.VMEM((ns, sl), jnp.float32),
            pltpu.VMEM((ns, sl), jnp.float32),
            pltpu.VMEM_SHARED((ns, bh), jnp.float32),
            pltpu.VMEM_SHARED((ns, bh), jnp.float32),
            pltpu.SemaphoreType.DMA,
            pltpu.SemaphoreType.DMA,
            pltpu.SemaphoreType.DMA,
            pltpu.SemaphoreType.DMA,
        ],
    )
    def fm(xt_hbm, u_hbm, p_hbm, nn_hbm, outp_hbm, outn_hbm,
           xloc, u_v, p_v, n_v, part_p, part_n, accp, accn, redp, redn,
           shp, shn, sem0, sem1, sem2, sem3):
        c = lax.axis_index("c")
        s = lax.axis_index("s")

        cp0 = pltpu.async_copy(
            xt_hbm.at[pl.ds(s * (d_per_t * n), d_per_t * n)], xloc, sem0)
        cp1 = pltpu.async_copy(u_hbm.at[pl.ds(c * bh, bh)], u_v, sem1)
        cp2 = pltpu.async_copy(p_hbm.at[pl.ds(c * bh, bh)], p_v, sem2)
        cp3 = pltpu.async_copy(nn_hbm.at[pl.ds(c * bh, bh)], n_v, sem3)
        cp0.wait()
        cp1.wait()
        cp2.wait()
        cp3.wait()

        @plsc.parallel_loop(0, nvec, unroll=8)
        def _gather_body(k):
            kv = pl.ds(k * _L, _L)
            u16 = u_v[kv]
            p16 = p_v[kv]
            n16 = n_v[kv]
            ap = jnp.zeros((_L,), jnp.float32)
            an = jnp.zeros((_L,), jnp.float32)
            for dl in range(d_per_t):
                off = dl * n
                xu = plsc.load_gather(xloc, [u16 + off])
                xp = plsc.load_gather(xloc, [p16 + off])
                xn = plsc.load_gather(xloc, [n16 + off])
                ap = ap + xu * xp
                an = an + xu * xn
            part_p[kv] = ap
            part_n[kv] = an

        pltpu.sync_copy(part_p, shp.at[s])
        pltpu.sync_copy(part_n, shn.at[s])
        plsc.subcore_barrier()

        base = s * sl
        pltpu.sync_copy(shp.at[:, pl.ds(base, sl)], redp)
        pltpu.sync_copy(shn.at[:, pl.ds(base, sl)], redn)

        @plsc.parallel_loop(0, sl // _L, unroll=2)
        def _reduce_body(v):
            vv = pl.ds(v * _L, _L)
            ap = redp[0, vv]
            an = redn[0, vv]
            for r in range(1, ns):
                ap = ap + redp[r, vv]
                an = an + redn[r, vv]
            accp[vv] = ap
            accn[vv] = an

        out0 = c * bh + base
        pltpu.sync_copy(accp, outp_hbm.at[pl.ds(out0, sl)])
        pltpu.sync_copy(accn, outn_hbm.at[pl.ds(out0, sl)])

    return fm




def kernel(feature, adj, user, item_p, item_n, W, b):
    n, _ = feature.shape
    emb = W.shape[1]
    batch = user.shape[0]
    np_ = ((n + _BM - 1) // _BM) * _BM
    xt = _gcn_xt(feature, adj, W, b, np_)
    fm = _make_fm(np_, emb, batch)
    pred_p, pred_n = fm(xt, user, item_p, item_n)
    return (pred_p, pred_n)

# --- scband reference (transcript-rebuilt; emitter-appended) ---
"""Pipeline reference for scband-pupminus-cp-54168127537488 (READ-ONLY COPY).

The authoritative reference and input builder live on the scoring server;
editing this copy changes nothing except your own understanding.
"""

import jax, jax.numpy as jnp
import numpy as np

N = 10000
FEAT = 128
EMB = 32
B = 16384


def setup_inputs(seed: int = 0) -> dict:
    key = jax.random.key(seed)
    k1, k2, k3, k4, k5, k6, k7 = jax.random.split(key, 7)
    feature = jax.random.normal(k1, (N, FEAT), dtype=jnp.float32)
    adj = jax.random.uniform(k2, (N, N), dtype=jnp.float32)
    # row-normalize so aggregated messages stay in a sane range (like D^-1 A)
    adj = adj / jnp.sum(adj, axis=1, keepdims=True)
    user = jax.random.randint(k3, (B,), 0, N, dtype=jnp.int32)
    item_p = jax.random.randint(k4, (B,), 0, N, dtype=jnp.int32)
    item_n = jax.random.randint(k5, (B,), 0, N, dtype=jnp.int32)
    stdv = 1.0 / np.sqrt(EMB)
    W = jax.random.uniform(k6, (FEAT, EMB), minval=-stdv, maxval=stdv, dtype=jnp.float32)
    b = jax.random.uniform(k7, (EMB,), minval=-stdv, maxval=stdv, dtype=jnp.float32)
    return {"feature": feature, "adj": adj, "user": user, "item_p": item_p, "item_n": item_n, "W": W, "b": b}


def reference(feature, adj, user, item_p, item_n, W, b):
    # GraphConvolution: support = feature @ W ; output = adj @ support + bias
    support = feature @ W
    out = adj @ support + b
    # encode: tanh + dropout(p=0.0) -> identity
    x = jnp.tanh(out)

    def fm(u_e, i_e):
        sum_feature = u_e + i_e
        sum_sqr_feature = u_e ** 2 + i_e ** 2
        return jnp.sum(0.5 * (sum_feature ** 2 - sum_sqr_feature), axis=1)

    pred_p = fm(x[user], x[item_p])
    pred_n = fm(x[user], x[item_n])
    return (pred_p, pred_n)

if __name__ == "__main__":
    import jax
    _d = setup_inputs()
    print(jax.jit(kernel)(*tuple(_d.values())))

</pallas_src>

<mosaic_0001>
#map = affine_map<(d0, d1) -> (0)>
module attributes {stable_mosaic.version = 14 : i64} {
  func.func @fm(%arg0: i32, %arg1: i32, %arg2: memref<327680xf32, #tpu.memory_space<hbm>>, %arg3: memref<16384xi32, #tpu.memory_space<hbm>>, %arg4: memref<16384xi32, #tpu.memory_space<hbm>>, %arg5: memref<16384xi32, #tpu.memory_space<hbm>>, %arg6: memref<16384xf32, #tpu.memory_space<hbm>>, %arg7: memref<16384xf32, #tpu.memory_space<hbm>>, %arg8: memref<20480xf32, #tpu.memory_space<vmem>>, %arg9: memref<8192xi32, #tpu.memory_space<vmem>>, %arg10: memref<8192xi32, #tpu.memory_space<vmem>>, %arg11: memref<8192xi32, #tpu.memory_space<vmem>>, %arg12: memref<8192xf32, #tpu.memory_space<vmem>>, %arg13: memref<8192xf32, #tpu.memory_space<vmem>>, %arg14: memref<512xf32, #tpu.memory_space<vmem>>, %arg15: memref<512xf32, #tpu.memory_space<vmem>>, %arg16: memref<16x512xf32, #tpu.memory_space<vmem>>, %arg17: memref<16x512xf32, #tpu.memory_space<vmem>>, %arg18: memref<16x8192xf32, #tpu.memory_space<vmem_shared>>, %arg19: memref<16x8192xf32, #tpu.memory_space<vmem_shared>>, %arg20: memref<!tpu.dma_semaphore, #tpu.memory_space<semaphore_mem>>, %arg21: memref<!tpu.dma_semaphore, #tpu.memory_space<semaphore_mem>>, %arg22: memref<!tpu.dma_semaphore, #tpu.memory_space<semaphore_mem>>, %arg23: memref<!tpu.dma_semaphore, #tpu.memory_space<semaphore_mem>>) attributes {dimension_semantics = [#tpu.dimension_semantics<core_parallel>, #tpu.dimension_semantics<subcore_parallel>], iteration_bounds = array<i64: 2, 16>, scalar_prefetch = 0 : i64, scratch_operands = 16 : i64, tpu.core_type = #tpu.core_type<sc_vector_subcore>, window_params = [{transform_indices = #map}, {transform_indices = #map}, {transform_indices = #map}, {transform_indices = #map}, {transform_indices = #map}, {transform_indices = #map}]} {
    %mul3A = arith.constant 20480 : i32
    %mul3A_0 = arith.muli %arg1, %mul3A : i32
    %dma_start3A = tpu.memref_slice %arg2[%mul3A_0] : memref<327680xf32, #tpu.memory_space<hbm>> -> memref<20480xf32, #tpu.memory_space<hbm>>
    %dma_start3A_1 = tpu.memref_slice %arg2[%mul3A_0] : memref<327680xf32, #tpu.memory_space<hbm>> -> memref<20480xf32, #tpu.memory_space<hbm>>
    tpu.enqueue_dma source(%dma_start3A_1 : memref<20480xf32, #tpu.memory_space<hbm>>) target(%arg8 : memref<20480xf32, #tpu.memory_space<vmem>>) target_semaphore(%arg20 : memref<!tpu.dma_semaphore, #tpu.memory_space<semaphore_mem>>)
    %mul3A_2 = arith.constant 8192 : i32
    %mul3A_3 = arith.muli %arg0, %mul3A_2 : i32
    %dma_start3A_4 = tpu.memref_slice %arg3[%mul3A_3] : memref<16384xi32, #tpu.memory_space<hbm>> -> memref<8192xi32, #tpu.memory_space<hbm>>
    %dma_start3A_5 = tpu.memref_slice %arg3[%mul3A_3] : memref<16384xi32, #tpu.memory_space<hbm>> -> memref<8192xi32, #tpu.memory_space<hbm>>
    tpu.enqueue_dma source(%dma_start3A_5 : memref<8192xi32, #tpu.memory_space<hbm>>) target(%arg9 : memref<8192xi32, #tpu.memory_space<vmem>>) target_semaphore(%arg21 : memref<!tpu.dma_semaphore, #tpu.memory_space<semaphore_mem>>)
    %mul3A_6 = arith.constant 8192 : i32
    %mul3A_7 = arith.muli %arg0, %mul3A_6 : i32
    %dma_start3A_8 = tpu.memref_slice %arg4[%mul3A_7] : memref<16384xi32, #tpu.memory_space<hbm>> -> memref<8192xi32, #tpu.memory_space<hbm>>
    %dma_start3A_9 = tpu.memref_slice %arg4[%mul3A_7] : memref<16384xi32, #tpu.memory_space<hbm>> -> memref<8192xi32, #tpu.memory_space<hbm>>
    tpu.enqueue_dma source(%dma_start3A_9 : memref<8192xi32, #tpu.memory_space<hbm>>) target(%arg10 : memref<8192xi32, #tpu.memory_space<vmem>>) target_semaphore(%arg22 : memref<!tpu.dma_semaphore, #tpu.memory_space<semaphore_mem>>)
    %mul3A_10 = arith.constant 8192 : i32
    %mul3A_11 = arith.muli %arg0, %mul3A_10 : i32
    %dma_start3A_12 = tpu.memref_slice %arg5[%mul3A_11] : memref<16384xi32, #tpu.memory_space<hbm>> -> memref<8192xi32, #tpu.memory_space<hbm>>
    %dma_start3A_13 = tpu.memref_slice %arg5[%mul3A_11] : memref<16384xi32, #tpu.memory_space<hbm>> -> memref<8192xi32, #tpu.memory_space<hbm>>
    tpu.enqueue_dma source(%dma_start3A_13 : memref<8192xi32, #tpu.memory_space<hbm>>) target(%arg11 : memref<8192xi32, #tpu.memory_space<vmem>>) target_semaphore(%arg23 : memref<!tpu.dma_semaphore, #tpu.memory_space<semaphore_mem>>)
    %dma_wait3A = tpu.memref_slice %arg2[%mul3A_0] : memref<327680xf32, #tpu.memory_space<hbm>> -> memref<20480xf32, #tpu.memory_space<hbm>>
    %dma_wait3A_14 = tpu.memref_slice %arg2[%mul3A_0] : memref<327680xf32, #tpu.memory_space<hbm>> -> memref<20480xf32, #tpu.memory_space<hbm>>
    tpu.wait_dma2 semaphore(%arg20 : memref<!tpu.dma_semaphore, #tpu.memory_space<semaphore_mem>>) src(%dma_wait3A_14 : memref<20480xf32, #tpu.memory_space<hbm>>) dst(%arg8 : memref<20480xf32, #tpu.memory_space<vmem>>)
    %dma_wait3A_15 = tpu.memref_slice %arg3[%mul3A_3] : memref<16384xi32, #tpu.memory_space<hbm>> -> memref<8192xi32, #tpu.memory_space<hbm>>
    %dma_wait3A_16 = tpu.memref_slice %arg3[%mul3A_3] : memref<16384xi32, #tpu.memory_space<hbm>> -> memref<8192xi32, #tpu.memory_space<hbm>>
    tpu.wait_dma2 semaphore(%arg21 : memref<!tpu.dma_semaphore, #tpu.memory_space<semaphore_mem>>) src(%dma_wait3A_16 : memref<8192xi32, #tpu.memory_space<hbm>>) dst(%arg9 : memref<8192xi32, #tpu.memory_space<vmem>>)
    %dma_wait3A_17 = tpu.memref_slice %arg4[%mul3A_7] : memref<16384xi32, #tpu.memory_space<hbm>> -> memref<8192xi32, #tpu.memory_space<hbm>>
    %dma_wait3A_18 = tpu.memref_slice %arg4[%mul3A_7] : memref<16384xi32, #tpu.memory_space<hbm>> -> memref<8192xi32, #tpu.memory_space<hbm>>
    tpu.wait_dma2 semaphore(%arg22 : memref<!tpu.dma_semaphore, #tpu.memory_space<semaphore_mem>>) src(%dma_wait3A_18 : memref<8192xi32, #tpu.memory_space<hbm>>) dst(%arg10 : memref<8192xi32, #tpu.memory_space<vmem>>)
    %dma_wait3A_19 = tpu.memref_slice %arg5[%mul3A_11] : memref<16384xi32, #tpu.memory_space<hbm>> -> memref<8192xi32, #tpu.memory_space<hbm>>
    %dma_wait3A_20 = tpu.memref_slice %arg5[%mul3A_11] : memref<16384xi32, #tpu.memory_space<hbm>> -> memref<8192xi32, #tpu.memory_space<hbm>>
    tpu.wait_dma2 semaphore(%arg23 : memref<!tpu.dma_semaphore, #tpu.memory_space<semaphore_mem>>) src(%dma_wait3A_20 : memref<8192xi32, #tpu.memory_space<hbm>>) dst(%arg11 : memref<8192xi32, #tpu.memory_space<vmem>>)
    %parallel_loop3A = arith.constant 0 : i32
    %parallel_loop3A_21 = arith.constant 512 : i32
    %parallel_loop3A_22 = arith.constant 1 : i32
    scf.for %parallel_loop3A_30 = %parallel_loop3A to %parallel_loop3A_21 step %parallel_loop3A_22  : i32 {
      %parallel_loop3A_31 = arith.constant 16 : i32
      %parallel_loop3A_32 = arith.muli %parallel_loop3A_30, %parallel_loop3A_31 : i32
      %parallel_loop3A_33 = arith.index_cast %parallel_loop3A_32 : i32 to index
      %parallel_loop3A_34 = tpu.vector_load %arg9[%parallel_loop3A_33] {strides = array<i32>} : memref<8192xi32, #tpu.memory_space<vmem>>, vector<16xi32>,
      %parallel_loop3A_35 = arith.index_cast %parallel_loop3A_32 : i32 to index
      %parallel_loop3A_36 = tpu.vector_load %arg10[%parallel_loop3A_35] {strides = array<i32>} : memref<8192xi32, #tpu.memory_space<vmem>>, vector<16xi32>,
      %parallel_loop3A_37 = arith.index_cast %parallel_loop3A_32 : i32 to index
      %parallel_loop3A_38 = tpu.vector_load %arg11[%parallel_loop3A_37] {strides = array<i32>} : memref<8192xi32, #tpu.memory_space<vmem>>, vector<16xi32>,
      %parallel_loop3A_39 = arith.constant 0.000000e+00 : f32
      %parallel_loop3A_40 = vector.broadcast %parallel_loop3A_39 : f32 to vector<16xf32>
      %parallel_loop3A_41 = arith.constant 0.000000e+00 : f32
      %parallel_loop3A_42 = vector.broadcast %parallel_loop3A_41 : f32 to vector<16xf32>
      %parallel_loop3A_43 = arith.constant 0 : i32
      %parallel_loop3A_44 = vector.broadcast %parallel_loop3A_43 : i32 to vector<16xi32>
      %parallel_loop3A_45 = arith.addi %parallel_loop3A_34, %parallel_loop3A_44 : vector<16xi32>
      %parallel_loop3A_46 = tpu.vector_load_idx %arg8[%parallel_loop3A_45] : memref<20480xf32, #tpu.memory_space<vmem>>[vector<16xi32>], vector<16xf32>,
      %parallel_loop3A_47 = arith.constant 0 : i32
      %parallel_loop3A_48 = vector.broadcast %parallel_loop3A_47 : i32 to vector<16xi32>
      %parallel_loop3A_49 = arith.addi %parallel_loop3A_36, %parallel_loop3A_48 : vector<16xi32>
      %parallel_loop3A_50 = tpu.vector_load_idx %arg8[%parallel_loop3A_49] : memref<20480xf32, #tpu.memory_space<vmem>>[vector<16xi32>], vector<16xf32>,
      %parallel_loop3A_51 = arith.constant 0 : i32
      %parallel_loop3A_52 = vector.broadcast %parallel_loop3A_51 : i32 to vector<16xi32>
      %parallel_loop3A_53 = arith.addi %parallel_loop3A_38, %parallel_loop3A_52 : vector<16xi32>
      %parallel_loop3A_54 = tpu.vector_load_idx %arg8[%parallel_loop3A_53] : memref<20480xf32, #tpu.memory_space<vmem>>[vector<16xi32>], vector<16xf32>,
      %parallel_loop3A_55 = arith.mulf %parallel_loop3A_46, %parallel_loop3A_50 : vector<16xf32>
      %parallel_loop3A_56 = arith.addf %parallel_loop3A_40, %parallel_loop3A_55 : vector<16xf32>
      %parallel_loop3A_57 = arith.mulf %parallel_loop3A_46, %parallel_loop3A_54 : vector<16xf32>
      %parallel_loop3A_58 = arith.addf %parallel_loop3A_42, %parallel_loop3A_57 : vector<16xf32>
      %parallel_loop3A_59 = arith.constant 10240 : i32
      %parallel_loop3A_60 = vector.broadcast %parallel_loop3A_59 : i32 to vector<16xi32>
      %parallel_loop3A_61 = arith.addi %parallel_loop3A_34, %parallel_loop3A_60 : vector<16xi32>
      %parallel_loop3A_62 = tpu.vector_load_idx %arg8[%parallel_loop3A_61] : memref<20480xf32, #tpu.memory_space<vmem>>[vector<16xi32>], vector<16xf32>,
      %parallel_loop3A_63 = arith.constant 10240 : i32
      %parallel_loop3A_64 = vector.broadcast %parallel_loop3A_63 : i32 to vector<16xi32>
      %parallel_loop3A_65 = arith.addi %parallel_loop3A_36, %parallel_loop3A_64 : vector<16xi32>
      %parallel_loop3A_66 = tpu.vector_load_idx %arg8[%parallel_loop3A_65] : memref<20480xf32, #tpu.memory_space<vmem>>[vector<16xi32>], vector<16xf32>,
      %parallel_loop3A_67 = arith.constant 10240 : i32
      %parallel_loop3A_68 = vector.broadcast %parallel_loop3A_67 : i32 to vector<16xi32>
      %parallel_loop3A_69 = arith.addi %parallel_loop3A_38, %parallel_loop3A_68 : vector<16xi32>
      %parallel_loop3A_70 = tpu.vector_load_idx %arg8[%parallel_loop3A_69] : memref<20480xf32, #tpu.memory_space<vmem>>[vector<16xi32>], vector<16xf32>,
      %parallel_loop3A_71 = arith.mulf %parallel_loop3A_62, %parallel_loop3A_66 : vector<16xf32>
      %parallel_loop3A_72 = arith.addf %parallel_loop3A_56, %parallel_loop3A_71 : vector<16xf32>
      %parallel_loop3A_73 = arith.mulf %parallel_loop3A_62, %parallel_loop3A_70 : vector<16xf32>
      %parallel_loop3A_74 = arith.addf %parallel_loop3A_58, %parallel_loop3A_73 : vector<16xf32>
      %parallel_loop3A_75 = arith.index_cast %parallel_loop3A_32 : i32 to index
      %parallel_loop3A_76 = tpu.vector_load %arg12[%parallel_loop3A_75] {strides = array<i32>} : memref<8192xf32, #tpu.memory_space<vmem>>, vector<16xf32>,
      tpu.vector_store %arg12[%parallel_loop3A_75], %parallel_loop3A_72 {strides = array<i32>} : memref<8192xf32, #tpu.memory_space<vmem>>, vector<16xf32>,
      %parallel_loop3A_77 = arith.index_cast %parallel_loop3A_32 : i32 to index
      %parallel_loop3A_78 = tpu.vector_load %arg13[%parallel_loop3A_77] {strides = array<i32>} : memref<8192xf32, #tpu.memory_space<vmem>>, vector<16xf32>,
      tpu.vector_store %arg13[%parallel_loop3A_77], %parallel_loop3A_74 {strides = array<i32>} : memref<8192xf32, #tpu.memory_space<vmem>>, vector<16xf32>,
    } {sc.loop_unroll_factor = 8 : i64, sc.parallel_access}
    "tpu.region"() ({
      %run_scoped3A = tpu.sem_alloc : memref<!tpu.dma_semaphore, #tpu.memory_space<semaphore_mem>>
      %dma_start3A_30 = arith.constant 0 : i32
      %dma_start3A_31 = tpu.memref_slice %arg18[%arg1, %dma_start3A_30] : memref<16x8192xf32, #tpu.memory_space<vmem_shared>> -> memref<1x8192xf32, #tpu.memory_space<vmem_shared>>
      %dma_start3A_32 = tpu.memref_squeeze %dma_start3A_31 : memref<1x8192xf32, #tpu.memory_space<vmem_shared>> -> memref<8192xf32, #tpu.memory_space<vmem_shared>>
      %dma_start3A_33 = arith.constant 0 : i32
      %dma_start3A_34 = tpu.memref_slice %arg18[%arg1, %dma_start3A_33] : memref<16x8192xf32, #tpu.memory_space<vmem_shared>> -> memref<1x8192xf32, #tpu.memory_space<vmem_shared>>
      %dma_start3A_35 = tpu.memref_squeeze %dma_start3A_34 : memref<1x8192xf32, #tpu.memory_space<vmem_shared>> -> memref<8192xf32, #tpu.memory_space<vmem_shared>>
      tpu.enqueue_dma source(%arg12 : memref<8192xf32, #tpu.memory_space<vmem>>) target(%dma_start3A_35 : memref<8192xf32, #tpu.memory_space<vmem_shared>>) target_semaphore(%run_scoped3A : memref<!tpu.dma_semaphore, #tpu.memory_space<semaphore_mem>>)
      %dma_wait3A_36 = arith.constant 0 : i32
      %dma_wait3A_37 = tpu.memref_slice %arg18[%arg1, %dma_wait3A_36] : memref<16x8192xf32, #tpu.memory_space<vmem_shared>> -> memref<1x8192xf32, #tpu.memory_space<vmem_shared>>
      %dma_wait3A_38 = tpu.memref_squeeze %dma_wait3A_37 : memref<1x8192xf32, #tpu.memory_space<vmem_shared>> -> memref<8192xf32, #tpu.memory_space<vmem_shared>>
      %dma_wait3A_39 = arith.constant 0 : i32
      %dma_wait3A_40 = tpu.memref_slice %arg18[%arg1, %dma_wait3A_39] : memref<16x8192xf32, #tpu.memory_space<vmem_shared>> -> memref<1x8192xf32, #tpu.memory_space<vmem_shared>>
      %dma_wait3A_41 = tpu.memref_squeeze %dma_wait3A_40 : memref<1x8192xf32, #tpu.memory_space<vmem_shared>> -> memref<8192xf32, #tpu.memory_space<vmem_shared>>
      tpu.wait_dma2 semaphore(%run_scoped3A : memref<!tpu.dma_semaphore, #tpu.memory_space<semaphore_mem>>) src(%arg12 : memref<8192xf32, #tpu.memory_space<vmem>>) dst(%dma_wait3A_41 : memref<8192xf32, #tpu.memory_space<vmem_shared>>)
      tpu.yield
    }) : () -> ()
    "tpu.region"() ({
      %run_scoped3A = tpu.sem_alloc : memref<!tpu.dma_semaphore, #tpu.memory_space<semaphore_mem>>
      %dma_start3A_30 = arith.constant 0 : i32
      %dma_start3A_31 = tpu.memref_slice %arg19[%arg1, %dma_start3A_30] : memref<16x8192xf32, #tpu.memory_space<vmem_shared>> -> memref<1x8192xf32, #tpu.memory_space<vmem_shared>>
      %dma_start3A_32 = tpu.memref_squeeze %dma_start3A_31 : memref<1x8192xf32, #tpu.memory_space<vmem_shared>> -> memref<8192xf32, #tpu.memory_space<vmem_shared>>
      %dma_start3A_33 = arith.constant 0 : i32
      %dma_start3A_34 = tpu.memref_slice %arg19[%arg1, %dma_start3A_33] : memref<16x8192xf32, #tpu.memory_space<vmem_shared>> -> memref<1x8192xf32, #tpu.memory_space<vmem_shared>>
      %dma_start3A_35 = tpu.memref_squeeze %dma_start3A_34 : memref<1x8192xf32, #tpu.memory_space<vmem_shared>> -> memref<8192xf32, #tpu.memory_space<vmem_shared>>
      tpu.enqueue_dma source(%arg13 : memref<8192xf32, #tpu.memory_space<vmem>>) target(%dma_start3A_35 : memref<8192xf32, #tpu.memory_space<vmem_shared>>) target_semaphore(%run_scoped3A : memref<!tpu.dma_semaphore, #tpu.memory_space<semaphore_mem>>)
      %dma_wait3A_36 = arith.constant 0 : i32
      %dma_wait3A_37 = tpu.memref_slice %arg19[%arg1, %dma_wait3A_36] : memref<16x8192xf32, #tpu.memory_space<vmem_shared>> -> memref<1x8192xf32, #tpu.memory_space<vmem_shared>>
      %dma_wait3A_38 = tpu.memref_squeeze %dma_wait3A_37 : memref<1x8192xf32, #tpu.memory_space<vmem_shared>> -> memref<8192xf32, #tpu.memory_space<vmem_shared>>
      %dma_wait3A_39 = arith.constant 0 : i32
      %dma_wait3A_40 = tpu.memref_slice %arg19[%arg1, %dma_wait3A_39] : memref<16x8192xf32, #tpu.memory_space<vmem_shared>> -> memref<1x8192xf32, #tpu.memory_space<vmem_shared>>
      %dma_wait3A_41 = tpu.memref_squeeze %dma_wait3A_40 : memref<1x8192xf32, #tpu.memory_space<vmem_shared>> -> memref<8192xf32, #tpu.memory_space<vmem_shared>>
      tpu.wait_dma2 semaphore(%run_scoped3A : memref<!tpu.dma_semaphore, #tpu.memory_space<semaphore_mem>>) src(%arg13 : memref<8192xf32, #tpu.memory_space<vmem>>) dst(%dma_wait3A_41 : memref<8192xf32, #tpu.memory_space<vmem_shared>>)
      tpu.yield
    }) : () -> ()
    %barrier3A = arith.constant 0 : index
    tpu.barrier barrier_id(%barrier3A)
    %mul3A_23 = arith.constant 512 : i32
    %mul3A_24 = arith.muli %arg1, %mul3A_23 : i32
    "tpu.region"() ({
      %run_scoped3A = tpu.sem_alloc : memref<!tpu.dma_semaphore, #tpu.memory_space<semaphore_mem>>
      %dma_start3A_30 = arith.constant 0 : i32
      %dma_start3A_31 = tpu.memref_slice %arg18[%dma_start3A_30, %mul3A_24] : memref<16x8192xf32, #tpu.memory_space<vmem_shared>> -> memref<16x512xf32, #tpu.memory_space<vmem_shared>>
      %dma_start3A_32 = arith.constant 0 : i32
      %dma_start3A_33 = tpu.memref_slice %arg18[%dma_start3A_32, %mul3A_24] : memref<16x8192xf32, #tpu.memory_space<vmem_shared>> -> memref<16x512xf32, #tpu.memory_space<vmem_shared>>
      tpu.enqueue_dma source(%dma_start3A_33 : memref<16x512xf32, #tpu.memory_space<vmem_shared>>) target(%arg16 : memref<16x512xf32, #tpu.memory_space<vmem>>) target_semaphore(%run_scoped3A : memref<!tpu.dma_semaphore, #tpu.memory_space<semaphore_mem>>)
      %dma_wait3A_34 = arith.constant 0 : i32
      %dma_wait3A_35 = tpu.memref_slice %arg18[%dma_wait3A_34, %mul3A_24] : memref<16x8192xf32, #tpu.memory_space<vmem_shared>> -> memref<16x512xf32, #tpu.memory_space<vmem_shared>>
      %dma_wait3A_36 = arith.constant 0 : i32
      %dma_wait3A_37 = tpu.memref_slice %arg18[%dma_wait3A_36, %mul3A_24] : memref<16x8192xf32, #tpu.memory_space<vmem_shared>> -> memref<16x512xf32, #tpu.memory_space<vmem_shared>>
      tpu.wait_dma2 semaphore(%run_scoped3A : memref<!tpu.dma_semaphore, #tpu.memory_space<semaphore_mem>>) src(%dma_wait3A_37 : memref<16x512xf32, #tpu.memory_space<vmem_shared>>) dst(%arg16 : memref<16x512xf32, #tpu.memory_space<vmem>>)
      tpu.yield
    }) : () -> ()
    "tpu.region"() ({
      %run_scoped3A = tpu.sem_alloc : memref<!tpu.dma_semaphore, #tpu.memory_space<semaphore_mem>>
      %dma_start3A_30 = arith.constant 0 : i32
      %dma_start3A_31 = tpu.memref_slice %arg19[%dma_start3A_30, %mul3A_24] : memref<16x8192xf32, #tpu.memory_space<vmem_shared>> -> memref<16x512xf32, #tpu.memory_space<vmem_shared>>
      %dma_start3A_32 = arith.constant 0 : i32
      %dma_start3A_33 = tpu.memref_slice %arg19[%dma_start3A_32, %mul3A_24] : memref<16x8192xf32, #tpu.memory_space<vmem_shared>> -> memref<16x512xf32, #tpu.memory_space<vmem_shared>>
      tpu.enqueue_dma source(%dma_start3A_33 : memref<16x512xf32, #tpu.memory_space<vmem_shared>>) target(%arg17 : memref<16x512xf32, #tpu.memory_space<vmem>>) target_semaphore(%run_scoped3A : memref<!tpu.dma_semaphore, #tpu.memory_space<semaphore_mem>>)
      %dma_wait3A_34 = arith.constant 0 : i32
      %dma_wait3A_35 = tpu.memref_slice %arg19[%dma_wait3A_34, %mul3A_24] : memref<16x8192xf32, #tpu.memory_space<vmem_shared>> -> memref<16x512xf32, #tpu.memory_space<vmem_shared>>
      %dma_wait3A_36 = arith.constant 0 : i32
      %dma_wait3A_37 = tpu.memref_slice %arg19[%dma_wait3A_36, %mul3A_24] : memref<16x8192xf32, #tpu.memory_space<vmem_shared>> -> memref<16x512xf32, #tpu.memory_space<vmem_shared>>
      tpu.wait_dma2 semaphore(%run_scoped3A : memref<!tpu.dma_semaphore, #tpu.memory_space<semaphore_mem>>) src(%dma_wait3A_37 : memref<16x512xf32, #tpu.memory_space<vmem_shared>>) dst(%arg17 : memref<16x512xf32, #tpu.memory_space<vmem>>)
      tpu.yield
    }) : () -> ()
    %parallel_loop3A_25 = arith.constant 0 : i32
    %parallel_loop3A_26 = arith.constant 32 : i32
    %parallel_loop3A_27 = arith.constant 1 : i32
    scf.for %parallel_loop3A_30 = %parallel_loop3A_25 to %parallel_loop3A_26 step %parallel_loop3A_27  : i32 {
      %parallel_loop3A_31 = arith.constant 16 : i32
      %parallel_loop3A_32 = arith.muli %parallel_loop3A_30, %parallel_loop3A_31 : i32
      %parallel_loop3A_33 = arith.constant 0 : i32
      %parallel_loop3A_34 = arith.index_cast %parallel_loop3A_33 : i32 to index
      %parallel_loop3A_35 = arith.index_cast %parallel_loop3A_32 : i32 to index
      %parallel_loop3A_36 = tpu.vector_load %arg16[%parallel_loop3A_34, %parallel_loop3A_35] {strides = array<i32>} : memref<16x512xf32, #tpu.memory_space<vmem>>, vector<16xf32>,
      %parallel_loop3A_37 = arith.constant 0 : i32
      %parallel_loop3A_38 = arith.index_cast %parallel_loop3A_37 : i32 to index
      %parallel_loop3A_39 = arith.index_cast %parallel_loop3A_32 : i32 to index
      %parallel_loop3A_40 = tpu.vector_load %arg17[%parallel_loop3A_38, %parallel_loop3A_39] {strides = array<i32>} : memref<16x512xf32, #tpu.memory_space<vmem>>, vector<16xf32>,
      %parallel_loop3A_41 = arith.constant 1 : i32
      %parallel_loop3A_42 = arith.index_cast %parallel_loop3A_41 : i32 to index
      %parallel_loop3A_43 = arith.index_cast %parallel_loop3A_32 : i32 to index
      %parallel_loop3A_44 = tpu.vector_load %arg16[%parallel_loop3A_42, %parallel_loop3A_43] {strides = array<i32>} : memref<16x512xf32, #tpu.memory_space<vmem>>, vector<16xf32>,
      %parallel_loop3A_45 = arith.addf %parallel_loop3A_36, %parallel_loop3A_44 : vector<16xf32>
      %parallel_loop3A_46 = arith.constant 1 : i32
      %parallel_loop3A_47 = arith.index_cast %parallel_loop3A_46 : i32 to index
      %parallel_loop3A_48 = arith.index_cast %parallel_loop3A_32 : i32 to index
      %parallel_loop3A_49 = tpu.vector_load %arg17[%parallel_loop3A_47, %parallel_loop3A_48] {strides = array<i32>} : memref<16x512xf32, #tpu.memory_space<vmem>>, vector<16xf32>,
      %parallel_loop3A_50 = arith.addf %parallel_loop3A_40, %parallel_loop3A_49 : vector<16xf32>
      %parallel_loop3A_51 = arith.constant 2 : i32
      %parallel_loop3A_52 = arith.index_cast %parallel_loop3A_51 : i32 to index
      %parallel_loop3A_53 = arith.index_cast %parallel_loop3A_32 : i32 to index
      %parallel_loop3A_54 = tpu.vector_load %arg16[%parallel_loop3A_52, %parallel_loop3A_53] {strides = array<i32>} : memref<16x512xf32, #tpu.memory_space<vmem>>, vector<16xf32>,
      %parallel_loop3A_55 = arith.addf %parallel_loop3A_45, %parallel_loop3A_54 : vector<16xf32>
      %parallel_loop3A_56 = arith.constant 2 : i32
      %parallel_loop3A_57 = arith.index_cast %parallel_loop3A_56 : i32 to index
      %parallel_loop3A_58 = arith.index_cast %parallel_loop3A_32 : i32 to index
      %parallel_loop3A_59 = tpu.vector_load %arg17[%parallel_loop3A_57, %parallel_loop3A_58] {strides = array<i32>} : memref<16x512xf32, #tpu.memory_space<vmem>>, vector<16xf32>,
      %parallel_loop3A_60 = arith.addf %parallel_loop3A_50, %parallel_loop3A_59 : vector<16xf32>
      %parallel_loop3A_61 = arith.constant 3 : i32
      %parallel_loop3A_62 = arith.index_cast %parallel_loop3A_61 : i32 to index
      %parallel_loop3A_63 = arith.index_cast %parallel_loop3A_32 : i32 to index
      %parallel_loop3A_64 = tpu.vector_load %arg16[%parallel_loop3A_62, %parallel_loop3A_63] {strides = array<i32>} : memref<16x512xf32, #tpu.memory_space<vmem>>, vector<16xf32>,
      %parallel_loop3A_65 = arith.addf %parallel_loop3A_55, %parallel_loop3A_64 : vector<16xf32>
      %parallel_loop3A_66 = arith.constant 3 : i32
      %parallel_loop3A_67 = arith.index_cast %parallel_loop3A_66 : i32 to index
      %parallel_loop3A_68 = arith.index_cast %parallel_loop3A_32 : i32 to index
      %parallel_loop3A_69 = tpu.vector_load %arg17[%parallel_loop3A_67, %parallel_loop3A_68] {strides = array<i32>} : memref<16x512xf32, #tpu.memory_space<vmem>>, vector<16xf32>,
      %parallel_loop3A_70 = arith.addf %parallel_loop3A_60, %parallel_loop3A_69 : vector<16xf32>
      %parallel_loop3A_71 = arith.constant 4 : i32
      %parallel_loop3A_72 = arith.index_cast %parallel_loop3A_71 : i32 to index
      %parallel_loop3A_73 = arith.index_cast %parallel_loop3A_32 : i32 to index
      %parallel_loop3A_74 = tpu.vector_load %arg16[%parallel_loop3A_72, %parallel_loop3A_73] {strides = array<i32>} : memref<16x512xf32, #tpu.memory_space<vmem>>, vector<16xf32>,
      %parallel_loop3A_75 = arith.addf %parallel_loop3A_65, %parallel_loop3A_74 : vector<16xf32>
      %parallel_loop3A_76 = arith.constant 4 : i32
      %parallel_loop3A_77 = arith.index_cast %parallel_loop3A_76 : i32 to index
      %parallel_loop3A_78 = arith.index_cast %parallel_loop3A_32 : i32 to index
      %parallel_loop3A_79 = tpu.vector_load %arg17[%parallel_loop3A_77, %parallel_loop3A_78] {strides = array<i32>} : memref<16x512xf32, #tpu.memory_space<vmem>>, vector<16xf32>,
      %parallel_loop3A_80 = arith.addf %parallel_loop3A_70, %parallel_loop3A_79 : vector<16xf32>
      %parallel_loop3A_81 = arith.constant 5 : i32
      %parallel_loop3A_82 = arith.index_cast %parallel_loop3A_81 : i32 to index
      %parallel_loop3A_83 = arith.index_cast %parallel_loop3A_32 : i32 to index
      %parallel_loop3A_84 = tpu.vector_load %arg16[%parallel_loop3A_82, %parallel_loop3A_83] {strides = array<i32>} : memref<16x512xf32, #tpu.memory_space<vmem>>, vector<16xf32>,
      %parallel_loop3A_85 = arith.addf %parallel_loop3A_75, %parallel_loop3A_84 : vector<16xf32>
      %parallel_loop3A_86 = arith.constant 5 : i32
      %parallel_loop3A_87 = arith.index_cast %parallel_loop3A_86 : i32 to index
      %parallel_loop3A_88 = arith.index_cast %parallel_loop3A_32 : i32 to index
      %parallel_loop3A_89 = tpu.vector_load %arg17[%parallel_loop3A_87, %parallel_loop3A_88] {strides = array<i32>} : memref<16x512xf32, #tpu.memory_space<vmem>>, vector<16xf32>,
      %parallel_loop3A_90 = arith.addf %parallel_loop3A_80, %parallel_loop3A_89 : vector<16xf32>
      %parallel_loop3A_91 = arith.constant 6 : i32
      %parallel_loop3A_92 = arith.index_cast %parallel_loop3A_91 : i32 to index
      %parallel_loop3A_93 = arith.index_cast %parallel_loop3A_32 : i32 to index
      %parallel_loop3A_94 = tpu.vector_load %arg16[%parallel_loop3A_92, %parallel_loop3A_93] {strides = array<i32>} : memref<16x512xf32, #tpu.memory_space<vmem>>, vector<16xf32>,
      %parallel_loop3A_95 = arith.addf %parallel_loop3A_85, %parallel_loop3A_94 : vector<16xf32>
      %parallel_loop3A_96 = arith.constant 6 : i32
      %parallel_loop3A_97 = arith.index_cast %parallel_loop3A_96 : i32 to index
      %parallel_loop3A_98 = arith.index_cast %parallel_loop3A_32 : i32 to index
      %parallel_loop3A_99 = tpu.vector_load %arg17[%parallel_loop3A_97, %parallel_loop3A_98] {strides = array<i32>} : memref<16x512xf32, #tpu.memory_space<vmem>>, vector<16xf32>,
      %parallel_loop3A_100 = arith.addf %parallel_loop3A_90, %parallel_loop3A_99 : vector<16xf32>
      %parallel_loop3A_101 = arith.constant 7 : i32
      %parallel_loop3A_102 = arith.index_cast %parallel_loop3A_101 : i32 to index
      %parallel_loop3A_103 = arith.index_cast %parallel_loop3A_32 : i32 to index
      %parallel_loop3A_104 = tpu.vector_load %arg16[%parallel_loop3A_102, %parallel_loop3A_103] {strides = array<i32>} : memref<16x512xf32, #tpu.memory_space<vmem>>, vector<16xf32>,
      %parallel_loop3A_105 = arith.addf %parallel_loop3A_95, %parallel_loop3A_104 : vector<16xf32>
      %parallel_loop3A_106 = arith.constant 7 : i32
      %parallel_loop3A_107 = arith.index_cast %parallel_loop3A_106 : i32 to index
      %parallel_loop3A_108 = arith.index_cast %parallel_loop3A_32 : i32 to index
      %parallel_loop3A_109 = tpu.vector_load %arg17[%parallel_loop3A_107, %parallel_loop3A_108] {strides = array<i32>} : memref<16x512xf32, #tpu.memory_space<vmem>>, vector<16xf32>,
      %parallel_loop3A_110 = arith.addf %parallel_loop3A_100, %parallel_loop3A_109 : vector<16xf32>
      %parallel_loop3A_111 = arith.constant 8 : i32
      %parallel_loop3A_112 = arith.index_cast %parallel_loop3A_111 : i32 to index
      %parallel_loop3A_113 = arith.index_cast %parallel_loop3A_32 : i32 to index
      %parallel_loop3A_114 = tpu.vector_load %arg16[%parallel_loop3A_112, %parallel_loop3A_113] {strides = array<i32>} : memref<16x512xf32, #tpu.memory_space<vmem>>, vector<16xf32>,
      %parallel_loop3A_115 = arith.addf %parallel_loop3A_105, %parallel_loop3A_114 : vector<16xf32>
      %parallel_loop3A_116 = arith.constant 8 : i32
      %parallel_loop3A_117 = arith.index_cast %parallel_loop3A_116 : i32 to index
      %parallel_loop3A_118 = arith.index_cast %parallel_loop3A_32 : i32 to index
      %parallel_loop3A_119 = tpu.vector_load %arg17[%parallel_loop3A_117, %parallel_loop3A_118] {strides = array<i32>} : memref<16x512xf32, #tpu.memory_space<vmem>>, vector<16xf32>,
      %parallel_loop3A_120 = arith.addf %parallel_loop3A_110, %parallel_loop3A_119 : vector<16xf32>
      %parallel_loop3A_121 = arith.constant 9 : i32
      %parallel_loop3A_122 = arith.index_cast %parallel_loop3A_121 : i32 to index
      %parallel_loop3A_123 = arith.index_cast %parallel_loop3A_32 : i32 to index
      %parallel_loop3A_124 = tpu.vector_load %arg16[%parallel_loop3A_122, %parallel_loop3A_123] {strides = array<i32>} : memref<16x512xf32, #tpu.memory_space<vmem>>, vector<16xf32>,
      %parallel_loop3A_125 = arith.addf %parallel_loop3A_115, %parallel_loop3A_124 : vector<16xf32>
      %parallel_loop3A_126 = arith.constant 9 : i32
      %parallel_loop3A_127 = arith.index_cast %parallel_loop3A_126 : i32 to index
      %parallel_loop3A_128 = arith.index_cast %parallel_loop3A_32 : i32 to index
      %parallel_loop3A_129 = tpu.vector_load %arg17[%parallel_loop3A_127, %parallel_loop3A_128] {strides = array<i32>} : memref<16x512xf32, #tpu.memory_space<vmem>>, vector<16xf32>,
      %parallel_loop3A_130 = arith.addf %parallel_loop3A_120, %parallel_loop3A_129 : vector<16xf32>
      %parallel_loop3A_131 = arith.constant 10 : i32
      %parallel_loop3A_132 = arith.index_cast %parallel_loop3A_131 : i32 to index
      %parallel_loop3A_133 = arith.index_cast %parallel_loop3A_32 : i32 to index
      %parallel_loop3A_134 = tpu.vector_load %arg16[%parallel_loop3A_132, %parallel_loop3A_133] {strides = array<i32>} : memref<16x512xf32, #tpu.memory_space<vmem>>, vector<16xf32>,
      %parallel_loop3A_135 = arith.addf %parallel_loop3A_125, %parallel_loop3A_134 : vector<16xf32>
      %parallel_loop3A_136 = arith.constant 10 : i32
      %parallel_loop3A_137 = arith.index_cast %parallel_loop3A_136 : i32 to index
      %parallel_loop3A_138 = arith.index_cast %parallel_loop3A_32 : i32 to index
      %parallel_loop3A_139 = tpu.vector_load %arg17[%parallel_loop3A_137, %parallel_loop3A_138] {strides = array<i32>} : memref<16x512xf32, #tpu.memory_space<vmem>>, vector<16xf32>,
      %parallel_loop3A_140 = arith.addf %parallel_loop3A_130, %parallel_loop3A_139 : vector<16xf32>
      %parallel_loop3A_141 = arith.constant 11 : i32
      %parallel_loop3A_142 = arith.index_cast %parallel_loop3A_141 : i32 to index
      %parallel_loop3A_143 = arith.index_cast %parallel_loop3A_32 : i32 to index
      %parallel_loop3A_144 = tpu.vector_load %arg16[%parallel_loop3A_142, %parallel_loop3A_143] {strides = array<i32>} : memref<16x512xf32, #tpu.memory_space<vmem>>, vector<16xf32>,
      %parallel_loop3A_145 = arith.addf %parallel_loop3A_135, %parallel_loop3A_144 : vector<16xf32>
      %parallel_loop3A_146 = arith.constant 11 : i32
      %parallel_loop3A_147 = arith.index_cast %parallel_loop3A_146 : i32 to index
      %parallel_loop3A_148 = arith.index_cast %parallel_loop3A_32 : i32 to index
      %parallel_loop3A_149 = tpu.vector_load %arg17[%parallel_loop3A_147, %parallel_loop3A_148] {strides = array<i32>} : memref<16x512xf32, #tpu.memory_space<vmem>>, vector<16xf32>,
      %parallel_loop3A_150 = arith.addf %parallel_loop3A_140, %parallel_loop3A_149 : vector<16xf32>
      %parallel_loop3A_151 = arith.constant 12 : i32
      %parallel_loop3A_152 = arith.index_cast %parallel_loop3A_151 : i32 to index
      %parallel_loop3A_153 = arith.index_cast %parallel_loop3A_32 : i32 to index
      %parallel_loop3A_154 = tpu.vector_load %arg16[%parallel_loop3A_152, %parallel_loop3A_153] {strides = array<i32>} : memref<16x512xf32, #tpu.memory_space<vmem>>, vector<16xf32>,
      %parallel_loop3A_155 = arith.addf %parallel_loop3A_145, %parallel_loop3A_154 : vector<16xf32>
      %parallel_loop3A_156 = arith.constant 12 : i32
      %parallel_loop3A_157 = arith.index_cast %parallel_loop3A_156 : i32 to index
      %parallel_loop3A_158 = arith.index_cast %parallel_loop3A_32 : i32 to index
      %parallel_loop3A_159 = tpu.vector_load %arg17[%parallel_loop3A_157, %parallel_loop3A_158] {strides = array<i32>} : memref<16x512xf32, #tpu.memory_space<vmem>>, vector<16xf32>,
      %parallel_loop3A_160 = arith.addf %parallel_loop3A_150, %parallel_loop3A_159 : vector<16xf32>
      %parallel_loop3A_161 = arith.constant 13 : i32
      %parallel_loop3A_162 = arith.index_cast %parallel_loop3A_161 : i32 to index
      %parallel_loop3A_163 = arith.index_cast %parallel_loop3A_32 : i32 to index
      %parallel_loop3A_164 = tpu.vector_load %arg16[%parallel_loop3A_162, %parallel_loop3A_163] {strides = array<i32>} : memref<16x512xf32, #tpu.memory_space<vmem>>, vector<16xf32>,
      %parallel_loop3A_165 = arith.addf %parallel_loop3A_155, %parallel_loop3A_164 : vector<16xf32>
      %parallel_loop3A_166 = arith.constant 13 : i32
      %parallel_loop3A_167 = arith.index_cast %parallel_loop3A_166 : i32 to index
      %parallel_loop3A_168 = arith.index_cast %parallel_loop3A_32 : i32 to index
      %parallel_loop3A_169 = tpu.vector_load %arg17[%parallel_loop3A_167, %parallel_loop3A_168] {strides = array<i32>} : memref<16x512xf32, #tpu.memory_space<vmem>>, vector<16xf32>,
      %parallel_loop3A_170 = arith.addf %parallel_loop3A_160, %parallel_loop3A_169 : vector<16xf32>
      %parallel_loop3A_171 = arith.constant 14 : i32
      %parallel_loop3A_172 = arith.index_cast %parallel_loop3A_171 : i32 to index
      %parallel_loop3A_173 = arith.index_cast %parallel_loop3A_32 : i32 to index
      %parallel_loop3A_174 = tpu.vector_load %arg16[%parallel_loop3A_172, %parallel_loop3A_173] {strides = array<i32>} : memref<16x512xf32, #tpu.memory_space<vmem>>, vector<16xf32>,
      %parallel_loop3A_175 = arith.addf %parallel_loop3A_165, %parallel_loop3A_174 : vector<16xf32>
      %parallel_loop3A_176 = arith.constant 14 : i32
      %parallel_loop3A_177 = arith.index_cast %parallel_loop3A_176 : i32 to index
      %parallel_loop3A_178 = arith.index_cast %parallel_loop3A_32 : i32 to index
      %parallel_loop3A_179 = tpu.vector_load %arg17[%parallel_loop3A_177, %parallel_loop3A_178] {strides = array<i32>} : memref<16x512xf32, #tpu.memory_space<vmem>>, vector<16xf32>,
      %parallel_loop3A_180 = arith.addf %parallel_loop3A_170, %parallel_loop3A_179 : vector<16xf32>
      %parallel_loop3A_181 = arith.constant 15 : i32
      %parallel_loop3A_182 = arith.index_cast %parallel_loop3A_181 : i32 to index
      %parallel_loop3A_183 = arith.index_cast %parallel_loop3A_32 : i32 to index
      %parallel_loop3A_184 = tpu.vector_load %arg16[%parallel_loop3A_182, %parallel_loop3A_183] {strides = array<i32>} : memref<16x512xf32, #tpu.memory_space<vmem>>, vector<16xf32>,
      %parallel_loop3A_185 = arith.addf %parallel_loop3A_175, %parallel_loop3A_184 : vector<16xf32>
      %parallel_loop3A_186 = arith.constant 15 : i32
      %parallel_loop3A_187 = arith.index_cast %parallel_loop3A_186 : i32 to index
      %parallel_loop3A_188 = arith.index_cast %parallel_loop3A_32 : i32 to index
      %parallel_loop3A_189 = tpu.vector_load %arg17[%parallel_loop3A_187, %parallel_loop3A_188] {strides = array<i32>} : memref<16x512xf32, #tpu.memory_space<vmem>>, vector<16xf32>,
      %parallel_loop3A_190 = arith.addf %parallel_loop3A_180, %parallel_loop3A_189 : vector<16xf32>
      %parallel_loop3A_191 = arith.index_cast %parallel_loop3A_32 : i32 to index
      %parallel_loop3A_192 = tpu.vector_load %arg14[%parallel_loop3A_191] {strides = array<i32>} : memref<512xf32, #tpu.memory_space<vmem>>, vector<16xf32>,
      tpu.vector_store %arg14[%parallel_loop3A_191], %parallel_loop3A_185 {strides = array<i32>} : memref<512xf32, #tpu.memory_space<vmem>>, vector<16xf32>,
      %parallel_loop3A_193 = arith.index_cast %parallel_loop3A_32 : i32 to index
      %parallel_loop3A_194 = tpu.vector_load %arg15[%parallel_loop3A_193] {strides = array<i32>} : memref<512xf32, #tpu.memory_space<vmem>>, vector<16xf32>,
      tpu.vector_store %arg15[%parallel_loop3A_193], %parallel_loop3A_190 {strides = array<i32>} : memref<512xf32, #tpu.memory_space<vmem>>, vector<16xf32>,
    } {sc.loop_unroll_factor = 2 : i64, sc.parallel_access}
    %mul3A_28 = arith.constant 8192 : i32
    %mul3A_29 = arith.muli %arg0, %mul3A_28 : i32
    %add3A = arith.addi %mul3A_29, %mul3A_24 : i32
    "tpu.region"() ({
      %run_scoped3A = tpu.sem_alloc : memref<!tpu.dma_semaphore, #tpu.memory_space<semaphore_mem>>
      %dma_start3A_30 = tpu.memref_slice %arg6[%add3A] : memref<16384xf32, #tpu.memory_space<hbm>> -> memref<512xf32, #tpu.memory_space<hbm>>
      %dma_start3A_31 = tpu.memref_slice %arg6[%add3A] : memref<16384xf32, #tpu.memory_space<hbm>> -> memref<512xf32, #tpu.memory_space<hbm>>
      tpu.enqueue_dma source(%arg14 : memref<512xf32, #tpu.memory_space<vmem>>) target(%dma_start3A_31 : memref<512xf32, #tpu.memory_space<hbm>>) target_semaphore(%run_scoped3A : memref<!tpu.dma_semaphore, #tpu.memory_space<semaphore_mem>>)
      %dma_wait3A_32 = tpu.memref_slice %arg6[%add3A] : memref<16384xf32, #tpu.memory_space<hbm>> -> memref<512xf32, #tpu.memory_space<hbm>>
      %dma_wait3A_33 = tpu.memref_slice %arg6[%add3A] : memref<16384xf32, #tpu.memory_space<hbm>> -> memref<512xf32, #tpu.memory_space<hbm>>
      tpu.wait_dma2 semaphore(%run_scoped3A : memref<!tpu.dma_semaphore, #tpu.memory_space<semaphore_mem>>) src(%arg14 : memref<512xf32, #tpu.memory_space<vmem>>) dst(%dma_wait3A_33 : memref<512xf32, #tpu.memory_space<hbm>>)
      tpu.yield
    }) : () -> ()
    "tpu.region"() ({
      %run_scoped3A = tpu.sem_alloc : memref<!tpu.dma_semaphore, #tpu.memory_space<semaphore_mem>>
      %dma_start3A_30 = tpu.memref_slice %arg7[%add3A] : memref<16384xf32, #tpu.memory_space<hbm>> -> memref<512xf32, #tpu.memory_space<hbm>>
      %dma_start3A_31 = tpu.memref_slice %arg7[%add3A] : memref<16384xf32, #tpu.memory_space<hbm>> -> memref<512xf32, #tpu.memory_space<hbm>>
      tpu.enqueue_dma source(%arg15 : memref<512xf32, #tpu.memory_space<vmem>>) target(%dma_start3A_31 : memref<512xf32, #tpu.memory_space<hbm>>) target_semaphore(%run_scoped3A : memref<!tpu.dma_semaphore, #tpu.memory_space<semaphore_mem>>)
      %dma_wait3A_32 = tpu.memref_slice %arg7[%add3A] : memref<16384xf32, #tpu.memory_space<hbm>> -> memref<512xf32, #tpu.memory_space<hbm>>
      %dma_wait3A_33 = tpu.memref_slice %arg7[%add3A] : memref<16384xf32, #tpu.memory_space<hbm>> -> memref<512xf32, #tpu.memory_space<hbm>>
      tpu.wait_dma2 semaphore(%run_scoped3A : memref<!tpu.dma_semaphore, #tpu.memory_space<semaphore_mem>>) src(%arg15 : memref<512xf32, #tpu.memory_space<vmem>>) dst(%dma_wait3A_33 : memref<512xf32, #tpu.memory_space<hbm>>)
      tpu.yield
    }) : () -> ()
    return
  }
}

module attributes {stable_mosaic.version = 14 : i64} {
  func.func @_gcn_body(%arg0: i32, %arg1: memref<256x10000xf32, #tpu.memory_space<vmem>>, %arg2: memref<10000x128xf32, #tpu.memory_space<vmem>>, %arg3: memref<128x32xf32, #tpu.memory_space<vmem>>, %arg4: memref<1x32xf32, #tpu.memory_space<vmem>>, %arg5: memref<327680xf32, #tpu.memory_space<vmem>>, %arg6: memref<10000x32xf32, #tpu.memory_space<vmem>>) attributes {dimension_semantics = [#tpu.dimension_semantics<arbitrary>], iteration_bounds = array<i64: 40>, scalar_prefetch = 0 : i64, scratch_operands = 1 : i64, tpu.core_type = #tpu.core_type<tc>, window_params = [{transform_indices = @transform_0, window_bounds = array<i64: 256, 10000>}, {pipeline_mode = #tpu.pipeline_mode<synchronous>, transform_indices = @transform_1, window_bounds = array<i64: 10000, 128>}, {pipeline_mode = #tpu.pipeline_mode<synchronous>, transform_indices = @transform_2, window_bounds = array<i64: 128, 32>}, {pipeline_mode = #tpu.pipeline_mode<synchronous>, transform_indices = @transform_3, window_bounds = array<i64: 1, 32>}, {pipeline_mode = #tpu.pipeline_mode<synchronous>, transform_indices = @transform_4, window_bounds = array<i64: 327680>}]} {
    %eq3A = arith.constant 0 : i32
    %eq3A_0 = arith.cmpi eq, %arg0, %eq3A : i32
    %convert_element_type3A = arith.extui %eq3A_0 : i1 to i32
    %cond3A = arith.constant 0 : i32
    %cond3A_1 = arith.cmpi ne, %convert_element_type3A, %cond3A : i32
    scf.if %cond3A_1 {
      %get3A_264 = arith.constant 0 : index
      %get3A_265 = arith.constant 0 : index
      %get3A_266 = vector.load %arg2[%get3A_264, %get3A_265] : memref<10000x128xf32, #tpu.memory_space<vmem>>, vector<10000x128xf32>
      %get3A_267 = arith.constant 0 : index
      %get3A_268 = arith.constant 0 : index
      %get3A_269 = vector.load %arg3[%get3A_267, %get3A_268] : memref<128x32xf32, #tpu.memory_space<vmem>>, vector<128x32xf32>
      %dot_general3A_270 = arith.constant dense<0.000000e+00> : vector<10000x32xf32>
      %dot_general3A_271 = tpu.matmul %get3A_266, %get3A_269, %dot_general3A_270 {dimension_numbers = #tpu.dot_dimension_numbers<[1], [0], [0], [1], [0, 0, 1, 1], [], []>, transpose_lhs_hint = false} : vector<10000x128xf32>, vector<128x32xf32>, vector<10000x32xf32> -> vector<10000x32xf32>
      %swap3A_272 = arith.constant 0 : index
      %swap3A_273 = arith.constant 0 : index
      %swap3A_274 = vector.load %arg6[%swap3A_272, %swap3A_273] : memref<10000x32xf32, #tpu.memory_space<vmem>>, vector<10000x32xf32>
      tpu.vector_store %arg6[%swap3A_272, %swap3A_273], %dot_general3A_271 {strides = array<i32>} : memref<10000x32xf32, #tpu.memory_space<vmem>>, vector<10000x32xf32>,
    } else {
    }
    %get3A = arith.constant 0 : index
    %get3A_2 = arith.constant 0 : index
    %get3A_3 = vector.load %arg1[%get3A, %get3A_2] : memref<256x10000xf32, #tpu.memory_space<vmem>>, vector<256x10000xf32>
    %get3A_4 = arith.constant 0 : index
    %get3A_5 = arith.constant 0 : index
    %get3A_6 = vector.load %arg6[%get3A_4, %get3A_5] : memref<10000x32xf32, #tpu.memory_space<vmem>>, vector<10000x32xf32>
    %dot_general3A = arith.constant dense<0.000000e+00> : vector<256x32xf32>
    %dot_general3A_7 = tpu.matmul %get3A_3, %get3A_6, %dot_general3A {dimension_numbers = #tpu.dot_dimension_numbers<[1], [0], [0], [1], [0, 0, 1, 1], [], []>, transpose_lhs_hint = false} : vector<256x10000xf32>, vector<10000x32xf32>, vector<256x32xf32> -> vector<256x32xf32>
    %get3A_8 = arith.constant 0 : index
    %get3A_9 = arith.constant 0 : index
    %get3A_10 = vector.load %arg4[%get3A_8, %get3A_9] : memref<1x32xf32, #tpu.memory_space<vmem>>, vector<1x32xf32>
    %add3A = vector.broadcast %get3A_10 : vector<1x32xf32> to vector<256x32xf32>
    %add3A_11 = arith.addf %dot_general3A_7, %add3A : vector<256x32xf32>
    %tanh3A = math.tanh %add3A_11 : vector<256x32xf32>
    %transpose3A = tpu.transpose %tanh3A, [1, 0] : vector<256x32xf32> -> vector<32x256xf32>
    %slice3A = vector.extract_strided_slice %transpose3A {offsets = [0, 0], sizes = [1, 256], strides = [1, 1]} : vector<32x256xf32> to vector<1x256xf32>
    %squeeze3A = vector.shape_cast %slice3A : vector<1x256xf32> to vector<256xf32>
    %mul3A = arith.constant 256 : i32
    %mul3A_12 = arith.muli %arg0, %mul3A : i32
    %add3A_13 = arith.constant 0 : i32
    %add3A_14 = arith.addi %add3A_13, %mul3A_12 : i32
    %swap3A = arith.index_cast %add3A_14 : i32 to index
    %swap3A_15 = vector.load %arg5[%swap3A] : memref<327680xf32, #tpu.memory_space<vmem>>, vector<256xf32>
    tpu.vector_store %arg5[%swap3A], %squeeze3A {strides = array<i32>} : memref<327680xf32, #tpu.memory_space<vmem>>, vector<256xf32>,
    %slice3A_16 = vector.extract_strided_slice %transpose3A {offsets = [1, 0], sizes = [1, 256], strides = [1, 1]} : vector<32x256xf32> to vector<1x256xf32>
    %squeeze3A_17 = vector.shape_cast %slice3A_16 : vector<1x256xf32> to vector<256xf32>
    %mul3A_18 = arith.constant 256 : i32
    %mul3A_19 = arith.muli %arg0, %mul3A_18 : i32
    %add3A_20 = arith.constant 10240 : i32
    %add3A_21 = arith.addi %add3A_20, %mul3A_19 : i32
    %swap3A_22 = arith.index_cast %add3A_21 : i32 to index
    %swap3A_23 = vector.load %arg5[%swap3A_22] : memref<327680xf32, #tpu.memory_space<vmem>>, vector<256xf32>
    tpu.vector_store %arg5[%swap3A_22], %squeeze3A_17 {strides = array<i32>} : memref<327680xf32, #tpu.memory_space<vmem>>, vector<256xf32>,
    %slice3A_24 = vector.extract_strided_slice %transpose3A {offsets = [2, 0], sizes = [1, 256], strides = [1, 1]} : vector<32x256xf32> to vector<1x256xf32>
    %squeeze3A_25 = vector.shape_cast %slice3A_24 : vector<1x256xf32> to vector<256xf32>
    %mul3A_26 = arith.constant 256 : i32
    %mul3A_27 = arith.muli %arg0, %mul3A_26 : i32
    %add3A_28 = arith.constant 20480 : i32
    %add3A_29 = arith.addi %add3A_28, %mul3A_27 : i32
    %swap3A_30 = arith.index_cast %add3A_29 : i32 to index
    %swap3A_31 = vector.load %arg5[%swap3A_30] : memref<327680xf32, #tpu.memory_space<vmem>>, vector<256xf32>
    tpu.vector_store %arg5[%swap3A_30], %squeeze3A_25 {strides = array<i32>} : memref<327680xf32, #tpu.memory_space<vmem>>, vector<256xf32>,
    %slice3A_32 = vector.extract_strided_slice %transpose3A {offsets = [3, 0], sizes = [1, 256], strides = [1, 1]} : vector<32x256xf32> to vector<1x256xf32>
    %squeeze3A_33 = vector.shape_cast %slice3A_32 : vector<1x256xf32> to vector<256xf32>
    %mul3A_34 = arith.constant 256 : i32
    %mul3A_35 = arith.muli %arg0, %mul3A_34 : i32
    %add3A_36 = arith.constant 30720 : i32
    %add3A_37 = arith.addi %add3A_36, %mul3A_35 : i32
    %swap3A_38 = arith.index_cast %add3A_37 : i32 to index
    %swap3A_39 = vector.load %arg5[%swap3A_38] : memref<327680xf32, #tpu.memory_space<vmem>>, vector<256xf32>
    tpu.vector_store %arg5[%swap3A_38], %squeeze3A_33 {strides = array<i32>} : memref<327680xf32, #tpu.memory_space<vmem>>, vector<256xf32>,
    %slice3A_40 = vector.extract_strided_slice %transpose3A {offsets = [4, 0], sizes = [1, 256], strides = [1, 1]} : vector<32x256xf32> to vector<1x256xf32>
    %squeeze3A_41 = vector.shape_cast %slice3A_40 : vector<1x256xf32> to vector<256xf32>
    %mul3A_42 = arith.constant 256 : i32
    %mul3A_43 = arith.muli %arg0, %mul3A_42 : i32
    %add3A_44 = arith.constant 40960 : i32
    %add3A_45 = arith.addi %add3A_44, %mul3A_43 : i32
    %swap3A_46 = arith.index_cast %add3A_45 : i32 to index
    %swap3A_47 = vector.load %arg5[%swap3A_46] : memref<327680xf32, #tpu.memory_space<vmem>>, vector<256xf32>
    tpu.vector_store %arg5[%swap3A_46], %squeeze3A_41 {strides = array<i32>} : memref<327680xf32, #tpu.memory_space<vmem>>, vector<256xf32>,
    %slice3A_48 = vector.extract_strided_slice %transpose3A {offsets = [5, 0], sizes = [1, 256], strides = [1, 1]} : vector<32x256xf32> to vector<1x256xf32>
    %squeeze3A_49 = vector.shape_cast %slice3A_48 : vector<1x256xf32> to vector<256xf32>
    %mul3A_50 = arith.constant 256 : i32
    %mul3A_51 = arith.muli %arg0, %mul3A_50 : i32
    %add3A_52 = arith.constant 51200 : i32
    %add3A_53 = arith.addi %add3A_52, %mul3A_51 : i32
    %swap3A_54 = arith.index_cast %add3A_53 : i32 to index
    %swap3A_55 = vector.load %arg5[%swap3A_54] : memref<327680xf32, #tpu.memory_space<vmem>>, vector<256xf32>
    tpu.vector_store %arg5[%swap3A_54], %squeeze3A_49 {strides = array<i32>} : memref<327680xf32, #tpu.memory_space<vmem>>, vector<256xf32>,
    %slice3A_56 = vector.extract_strided_slice %transpose3A {offsets = [6, 0], sizes = [1, 256], strides = [1, 1]} : vector<32x256xf32> to vector<1x256xf32>
    %squeeze3A_57 = vector.shape_cast %slice3A_56 : vector<1x256xf32> to vector<256xf32>
    %mul3A_58 = arith.constant 256 : i32
    %mul3A_59 = arith.muli %arg0, %mul3A_58 : i32
    %add3A_60 = arith.constant 61440 : i32
    %add3A_61 = arith.addi %add3A_60, %mul3A_59 : i32
    %swap3A_62 = arith.index_cast %add3A_61 : i32 to index
    %swap3A_63 = vector.load %arg5[%swap3A_62] : memref<327680xf32, #tpu.memory_space<vmem>>, vector<256xf32>
    tpu.vector_store %arg5[%swap3A_62], %squeeze3A_57 {strides = array<i32>} : memref<327680xf32, #tpu.memory_space<vmem>>, vector<256xf32>,
    %slice3A_64 = vector.extract_strided_slice %transpose3A {offsets = [7, 0], sizes = [1, 256], strides = [1, 1]} : vector<32x256xf32> to vector<1x256xf32>
    %squeeze3A_65 = vector.shape_cast %slice3A_64 : vector<1x256xf32> to vector<256xf32>
    %mul3A_66 = arith.constant 256 : i32
    %mul3A_67 = arith.muli %arg0, %mul3A_66 : i32
    %add3A_68 = arith.constant 71680 : i32
    %add3A_69 = arith.addi %add3A_68, %mul3A_67 : i32
    %swap3A_70 = arith.index_cast %add3A_69 : i32 to index
    %swap3A_71 = vector.load %arg5[%swap3A_70] : memref<327680xf32, #tpu.memory_space<vmem>>, vector<256xf32>
    tpu.vector_store %arg5[%swap3A_70], %squeeze3A_65 {strides = array<i32>} : memref<327680xf32, #tpu.memory_space<vmem>>, vector<256xf32>,
    %slice3A_72 = vector.extract_strided_slice %transpose3A {offsets = [8, 0], sizes = [1, 256], strides = [1, 1]} : vector<32x256xf32> to vector<1x256xf32>
    %squeeze3A_73 = vector.shape_cast %slice3A_72 : vector<1x256xf32> to vector<256xf32>
    %mul3A_74 = arith.constant 256 : i32
    %mul3A_75 = arith.muli %arg0, %mul3A_74 : i32
    %add3A_76 = arith.constant 81920 : i32
    %add3A_77 = arith.addi %add3A_76, %mul3A_75 : i32
    %swap3A_78 = arith.index_cast %add3A_77 : i32 to index
    %swap3A_79 = vector.load %arg5[%swap3A_78] : memref<327680xf32, #tpu.memory_space<vmem>>, vector<256xf32>
    tpu.vector_store %arg5[%swap3A_78], %squeeze3A_73 {strides = array<i32>} : memref<327680xf32, #tpu.memory_space<vmem>>, vector<256xf32>,
    %slice3A_80 = vector.extract_strided_slice %transpose3A {offsets = [9, 0], sizes = [1, 256], strides = [1, 1]} : vector<32x256xf32> to vector<1x256xf32>
    %squeeze3A_81 = vector.shape_cast %slice3A_80 : vector<1x256xf32> to vector<256xf32>
    %mul3A_82 = arith.constant 256 : i32
    %mul3A_83 = arith.muli %arg0, %mul3A_82 : i32
    %add3A_84 = arith.constant 92160 : i32
    %add3A_85 = arith.addi %add3A_84, %mul3A_83 : i32
    %swap3A_86 = arith.index_cast %add3A_85 : i32 to index
    %swap3A_87 = vector.load %arg5[%swap3A_86] : memref<327680xf32, #tpu.memory_space<vmem>>, vector<256xf32>
    tpu.vector_store %arg5[%swap3A_86], %squeeze3A_81 {strides = array<i32>} : memref<327680xf32, #tpu.memory_space<vmem>>, vector<256xf32>,
    %slice3A_88 = vector.extract_strided_slice %transpose3A {offsets = [10, 0], sizes = [1, 256], strides = [1, 1]} : vector<32x256xf32> to vector<1x256xf32>
    %squeeze3A_89 = vector.shape_cast %slice3A_88 : vector<1x256xf32> to vector<256xf32>
    %mul3A_90 = arith.constant 256 : i32
    %mul3A_91 = arith.muli %arg0, %mul3A_90 : i32
    %add3A_92 = arith.constant 102400 : i32
    %add3A_93 = arith.addi %add3A_92, %mul3A_91 : i32
    %swap3A_94 = arith.index_cast %add3A_93 : i32 to index
    %swap3A_95 = vector.load %arg5[%swap3A_94] : memref<327680xf32, #tpu.memory_space<vmem>>, vector<256xf32>
    tpu.vector_store %arg5[%swap3A_94], %squeeze3A_89 {strides = array<i32>} : memref<327680xf32, #tpu.memory_space<vmem>>, vector<256xf32>,
    %slice3A_96 = vector.extract_strided_slice %transpose3A {offsets = [11, 0], sizes = [1, 256], strides = [1, 1]} : vector<32x256xf32> to vector<1x256xf32>
    %squeeze3A_97 = vector.shape_cast %slice3A_96 : vector<1x256xf32> to vector<256xf32>
    %mul3A_98 = arith.constant 256 : i32
    %mul3A_99 = arith.muli %arg0, %mul3A_98 : i32
    %add3A_100 = arith.constant 112640 : i32
    %add3A_101 = arith.addi %add3A_100, %mul3A_99 : i32
    %swap3A_102 = arith.index_cast %add3A_101 : i32 to index
    %swap3A_103 = vector.load %arg5[%swap3A_102] : memref<327680xf32, #tpu.memory_space<vmem>>, vector<256xf32>
    tpu.vector_store %arg5[%swap3A_102], %squeeze3A_97 {strides = array<i32>} : memref<327680xf32, #tpu.memory_space<vmem>>, vector<256xf32>,
    %slice3A_104 = vector.extract_strided_slice %transpose3A {offsets = [12, 0], sizes = [1, 256], strides = [1, 1]} : vector<32x256xf32> to vector<1x256xf32>
    %squeeze3A_105 = vector.shape_cast %slice3A_104 : vector<1x256xf32> to vector<256xf32>
    %mul3A_106 = arith.constant 256 : i32
    %mul3A_107 = arith.muli %arg0, %mul3A_106 : i32
    %add3A_108 = arith.constant 122880 : i32
    %add3A_109 = arith.addi %add3A_108, %mul3A_107 : i32
    %swap3A_110 = arith.index_cast %add3A_109 : i32 to index
    %swap3A_111 = vector.load %arg5[%swap3A_110] : memref<327680xf32, #tpu.memory_space<vmem>>, vector<256xf32>
    tpu.vector_store %arg5[%swap3A_110], %squeeze3A_105 {strides = array<i32>} : memref<327680xf32, #tpu.memory_space<vmem>>, vector<256xf32>,
    %slice3A_112 = vector.extract_strided_slice %transpose3A {offsets = [13, 0], sizes = [1, 256], strides = [1, 1]} : vector<32x256xf32> to vector<1x256xf32>
    %squeeze3A_113 = vector.shape_cast %slice3A_112 : vector<1x256xf32> to vector<256xf32>
    %mul3A_114 = arith.constant 256 : i32
    %mul3A_115 = arith.muli %arg0, %mul3A_114 : i32
    %add3A_116 = arith.constant 133120 : i32
    %add3A_117 = arith.addi %add3A_116, %mul3A_115 : i32
    %swap3A_118 = arith.index_cast %add3A_117 : i32 to index
    %swap3A_119 = vector.load %arg5[%swap3A_118] : memref<327680xf32, #tpu.memory_space<vmem>>, vector<256xf32>
    tpu.vector_store %arg5[%swap3A_118], %squeeze3A_113 {strides = array<i32>} : memref<327680xf32, #tpu.memory_space<vmem>>, vector<256xf32>,
    %slice3A_120 = vector.extract_strided_slice %transpose3A {offsets = [14, 0], sizes = [1, 256], strides = [1, 1]} : vector<32x256xf32> to vector<1x256xf32>
    %squeeze3A_121 = vector.shape_cast %slice3A_120 : vector<1x256xf32> to vector<256xf32>
    %mul3A_122 = arith.constant 256 : i32
    %mul3A_123 = arith.muli %arg0, %mul3A_122 : i32
    %add3A_124 = arith.constant 143360 : i32
    %add3A_125 = arith.addi %add3A_124, %mul3A_123 : i32
    %swap3A_126 = arith.index_cast %add3A_125 : i32 to index
    %swap3A_127 = vector.load %arg5[%swap3A_126] : memref<327680xf32, #tpu.memory_space<vmem>>, vector<256xf32>
    tpu.vector_store %arg5[%swap3A_126], %squeeze3A_121 {strides = array<i32>} : memref<327680xf32, #tpu.memory_space<vmem>>, vector<256xf32>,
    %slice3A_128 = vector.extract_strided_slice %transpose3A {offsets = [15, 0], sizes = [1, 256], strides = [1, 1]} : vector<32x256xf32> to vector<1x256xf32>
    %squeeze3A_129 = vector.shape_cast %slice3A_128 : vector<1x256xf32> to vector<256xf32>
    %mul3A_130 = arith.constant 256 : i32
    %mul3A_131 = arith.muli %arg0, %mul3A_130 : i32
    %add3A_132 = arith.constant 153600 : i32
    %add3A_133 = arith.addi %add3A_132, %mul3A_131 : i32
    %swap3A_134 = arith.index_cast %add3A_133 : i32 to index
    %swap3A_135 = vector.load %arg5[%swap3A_134] : memref<327680xf32, #tpu.memory_space<vmem>>, vector<256xf32>
    tpu.vector_store %arg5[%swap3A_134], %squeeze3A_129 {strides = array<i32>} : memref<327680xf32, #tpu.memory_space<vmem>>, vector<256xf32>,
    %slice3A_136 = vector.extract_strided_slice %transpose3A {offsets = [16, 0], sizes = [1, 256], strides = [1, 1]} : vector<32x256xf32> to vector<1x256xf32>
    %squeeze3A_137 = vector.shape_cast %slice3A_136 : vector<1x256xf32> to vector<256xf32>
    %mul3A_138 = arith.constant 256 : i32
    %mul3A_139 = arith.muli %arg0, %mul3A_138 : i32
    %add3A_140 = arith.constant 163840 : i32
    %add3A_141 = arith.addi %add3A_140, %mul3A_139 : i32
    %swap3A_142 = arith.index_cast %add3A_141 : i32 to index
    %swap3A_143 = vector.load %arg5[%swap3A_142] : memref<327680xf32, #tpu.memory_space<vmem>>, vector<256xf32>
    tpu.vector_store %arg5[%swap3A_142], %squeeze3A_137 {strides = array<i32>} : memref<327680xf32, #tpu.memory_space<vmem>>, vector<256xf32>,
    %slice3A_144 = vector.extract_strided_slice %transpose3A {offsets = [17, 0], sizes = [1, 256], strides = [1, 1]} : vector<32x256xf32> to vector<1x256xf32>
    %squeeze3A_145 = vector.shape_cast %slice3A_144 : vector<1x256xf32> to vector<256xf32>
    %mul3A_146 = arith.constant 256 : i32
    %mul3A_147 = arith.muli %arg0, %mul3A_146 : i32
    %add3A_148 = arith.constant 174080 : i32
    %add3A_149 = arith.addi %add3A_148, %mul3A_147 : i32
    %swap3A_150 = arith.index_cast %add3A_149 : i32 to index
    %swap3A_151 = vector.load %arg5[%swap3A_150] : memref<327680xf32, #tpu.memory_space<vmem>>, vector<256xf32>
    tpu.vector_store %arg5[%swap3A_150], %squeeze3A_145 {strides = array<i32>} : memref<327680xf32, #tpu.memory_space<vmem>>, vector<256xf32>,
    %slice3A_152 = vector.extract_strided_slice %transpose3A {offsets = [18, 0], sizes = [1, 256], strides = [1, 1]} : vector<32x256xf32> to vector<1x256xf32>
    %squeeze3A_153 = vector.shape_cast %slice3A_152 : vector<1x256xf32> to vector<256xf32>
    %mul3A_154 = arith.constant 256 : i32
    %mul3A_155 = arith.muli %arg0, %mul3A_154 : i32
    %add3A_156 = arith.constant 184320 : i32
    %add3A_157 = arith.addi %add3A_156, %mul3A_155 : i32
    %swap3A_158 = arith.index_cast %add3A_157 : i32 to index
    %swap3A_159 = vector.load %arg5[%swap3A_158] : memref<327680xf32, #tpu.memory_space<vmem>>, vector<256xf32>
    tpu.vector_store %arg5[%swap3A_158], %squeeze3A_153 {strides = array<i32>} : memref<327680xf32, #tpu.memory_space<vmem>>, vector<256xf32>,
    %slice3A_160 = vector.extract_strided_slice %transpose3A {offsets = [19, 0], sizes = [1, 256], strides = [1, 1]} : vector<32x256xf32> to vector<1x256xf32>
    %squeeze3A_161 = vector.shape_cast %slice3A_160 : vector<1x256xf32> to vector<256xf32>
    %mul3A_162 = arith.constant 256 : i32
    %mul3A_163 = arith.muli %arg0, %mul3A_162 : i32
    %add3A_164 = arith.constant 194560 : i32
    %add3A_165 = arith.addi %add3A_164, %mul3A_163 : i32
    %swap3A_166 = arith.index_cast %add3A_165 : i32 to index
    %swap3A_167 = vector.load %arg5[%swap3A_166] : memref<327680xf32, #tpu.memory_space<vmem>>, vector<256xf32>
    tpu.vector_store %arg5[%swap3A_166], %squeeze3A_161 {strides = array<i32>} : memref<327680xf32, #tpu.memory_space<vmem>>, vector<256xf32>,
    %slice3A_168 = vector.extract_strided_slice %transpose3A {offsets = [20, 0], sizes = [1, 256], strides = [1, 1]} : vector<32x256xf32> to vector<1x256xf32>
    %squeeze3A_169 = vector.shape_cast %slice3A_168 : vector<1x256xf32> to vector<256xf32>
    %mul3A_170 = arith.constant 256 : i32
    %mul3A_171 = arith.muli %arg0, %mul3A_170 : i32
    %add3A_172 = arith.constant 204800 : i32
    %add3A_173 = arith.addi %add3A_172, %mul3A_171 : i32
    %swap3A_174 = arith.index_cast %add3A_173 : i32 to index
    %swap3A_175 = vector.load %arg5[%swap3A_174] : memref<327680xf32, #tpu.memory_space<vmem>>, vector<256xf32>
    tpu.vector_store %arg5[%swap3A_174], %squeeze3A_169 {strides = array<i32>} : memref<327680xf32, #tpu.memory_space<vmem>>, vector<256xf32>,
    %slice3A_176 = vector.extract_strided_slice %transpose3A {offsets = [21, 0], sizes = [1, 256], strides = [1, 1]} : vector<32x256xf32> to vector<1x256xf32>
    %squeeze3A_177 = vector.shape_cast %slice3A_176 : vector<1x256xf32> to vector<256xf32>
    %mul3A_178 = arith.constant 256 : i32
    %mul3A_179 = arith.muli %arg0, %mul3A_178 : i32
    %add3A_180 = arith.constant 215040 : i32
    %add3A_181 = arith.addi %add3A_180, %mul3A_179 : i32
    %swap3A_182 = arith.index_cast %add3A_181 : i32 to index
    %swap3A_183 = vector.load %arg5[%swap3A_182] : memref<327680xf32, #tpu.memory_space<vmem>>, vector<256xf32>
    tpu.vector_store %arg5[%swap3A_182], %squeeze3A_177 {strides = array<i32>} : memref<327680xf32, #tpu.memory_space<vmem>>, vector<256xf32>,
    %slice3A_184 = vector.extract_strided_slice %transpose3A {offsets = [22, 0], sizes = [1, 256], strides = [1, 1]} : vector<32x256xf32> to vector<1x256xf32>
    %squeeze3A_185 = vector.shape_cast %slice3A_184 : vector<1x256xf32> to vector<256xf32>
    %mul3A_186 = arith.constant 256 : i32
    %mul3A_187 = arith.muli %arg0, %mul3A_186 : i32
    %add3A_188 = arith.constant 225280 : i32
    %add3A_189 = arith.addi %add3A_188, %mul3A_187 : i32
    %swap3A_190 = arith.index_cast %add3A_189 : i32 to index
    %swap3A_191 = vector.load %arg5[%swap3A_190] : memref<327680xf32, #tpu.memory_space<vmem>>, vector<256xf32>
    tpu.vector_store %arg5[%swap3A_190], %squeeze3A_185 {strides = array<i32>} : memref<327680xf32, #tpu.memory_space<vmem>>, vector<256xf32>,
    %slice3A_192 = vector.extract_strided_slice %transpose3A {offsets = [23, 0], sizes = [1, 256], strides = [1, 1]} : vector<32x256xf32> to vector<1x256xf32>
    %squeeze3A_193 = vector.shape_cast %slice3A_192 : vector<1x256xf32> to vector<256xf32>
    %mul3A_194 = arith.constant 256 : i32
    %mul3A_195 = arith.muli %arg0, %mul3A_194 : i32
    %add3A_196 = arith.constant 235520 : i32
    %add3A_197 = arith.addi %add3A_196, %mul3A_195 : i32
    %swap3A_198 = arith.index_cast %add3A_197 : i32 to index
    %swap3A_199 = vector.load %arg5[%swap3A_198] : memref<327680xf32, #tpu.memory_space<vmem>>, vector<256xf32>
    tpu.vector_store %arg5[%swap3A_198], %squeeze3A_193 {strides = array<i32>} : memref<327680xf32, #tpu.memory_space<vmem>>, vector<256xf32>,
    %slice3A_200 = vector.extract_strided_slice %transpose3A {offsets = [24, 0], sizes = [1, 256], strides = [1, 1]} : vector<32x256xf32> to vector<1x256xf32>
    %squeeze3A_201 = vector.shape_cast %slice3A_200 : vector<1x256xf32> to vector<256xf32>
    %mul3A_202 = arith.constant 256 : i32
    %mul3A_203 = arith.muli %arg0, %mul3A_202 : i32
    %add3A_204 = arith.constant 245760 : i32
    %add3A_205 = arith.addi %add3A_204, %mul3A_203 : i32
    %swap3A_206 = arith.index_cast %add3A_205 : i32 to index
    %swap3A_207 = vector.load %arg5[%swap3A_206] : memref<327680xf32, #tpu.memory_space<vmem>>, vector<256xf32>
    tpu.vector_store %arg5[%swap3A_206], %squeeze3A_201 {strides = array<i32>} : memref<327680xf32, #tpu.memory_space<vmem>>, vector<256xf32>,
    %slice3A_208 = vector.extract_strided_slice %transpose3A {offsets = [25, 0], sizes = [1, 256], strides = [1, 1]} : vector<32x256xf32> to vector<1x256xf32>
    %squeeze3A_209 = vector.shape_cast %slice3A_208 : vector<1x256xf32> to vector<256xf32>
    %mul3A_210 = arith.constant 256 : i32
    %mul3A_211 = arith.muli %arg0, %mul3A_210 : i32
    %add3A_212 = arith.constant 256000 : i32
    %add3A_213 = arith.addi %add3A_212, %mul3A_211 : i32
    %swap3A_214 = arith.index_cast %add3A_213 : i32 to index
    %swap3A_215 = vector.load %arg5[%swap3A_214] : memref<327680xf32, #tpu.memory_space<vmem>>, vector<256xf32>
    tpu.vector_store %arg5[%swap3A_214], %squeeze3A_209 {strides = array<i32>} : memref<327680xf32, #tpu.memory_space<vmem>>, vector<256xf32>,
    %slice3A_216 = vector.extract_strided_slice %transpose3A {offsets = [26, 0], sizes = [1, 256], strides = [1, 1]} : vector<32x256xf32> to vector<1x256xf32>
    %squeeze3A_217 = vector.shape_cast %slice3A_216 : vector<1x256xf32> to vector<256xf32>
    %mul3A_218 = arith.constant 256 : i32
    %mul3A_219 = arith.muli %arg0, %mul3A_218 : i32
    %add3A_220 = arith.constant 266240 : i32
    %add3A_221 = arith.addi %add3A_220, %mul3A_219 : i32
    %swap3A_222 = arith.index_cast %add3A_221 : i32 to index
    %swap3A_223 = vector.load %arg5[%swap3A_222] : memref<327680xf32, #tpu.memory_space<vmem>>, vector<256xf32>
    tpu.vector_store %arg5[%swap3A_222], %squeeze3A_217 {strides = array<i32>} : memref<327680xf32, #tpu.memory_space<vmem>>, vector<256xf32>,
    %slice3A_224 = vector.extract_strided_slice %transpose3A {offsets = [27, 0], sizes = [1, 256], strides = [1, 1]} : vector<32x256xf32> to vector<1x256xf32>
    %squeeze3A_225 = vector.shape_cast %slice3A_224 : vector<1x256xf32> to vector<256xf32>
    %mul3A_226 = arith.constant 256 : i32
    %mul3A_227 = arith.muli %arg0, %mul3A_226 : i32
    %add3A_228 = arith.constant 276480 : i32
    %add3A_229 = arith.addi %add3A_228, %mul3A_227 : i32
    %swap3A_230 = arith.index_cast %add3A_229 : i32 to index
    %swap3A_231 = vector.load %arg5[%swap3A_230] : memref<327680xf32, #tpu.memory_space<vmem>>, vector<256xf32>
    tpu.vector_store %arg5[%swap3A_230], %squeeze3A_225 {strides = array<i32>} : memref<327680xf32, #tpu.memory_space<vmem>>, vector<256xf32>,
    %slice3A_232 = vector.extract_strided_slice %transpose3A {offsets = [28, 0], sizes = [1, 256], strides = [1, 1]} : vector<32x256xf32> to vector<1x256xf32>
    %squeeze3A_233 = vector.shape_cast %slice3A_232 : vector<1x256xf32> to vector<256xf32>
    %mul3A_234 = arith.constant 256 : i32
    %mul3A_235 = arith.muli %arg0, %mul3A_234 : i32
    %add3A_236 = arith.constant 286720 : i32
    %add3A_237 = arith.addi %add3A_236, %mul3A_235 : i32
    %swap3A_238 = arith.index_cast %add3A_237 : i32 to index
    %swap3A_239 = vector.load %arg5[%swap3A_238] : memref<327680xf32, #tpu.memory_space<vmem>>, vector<256xf32>
    tpu.vector_store %arg5[%swap3A_238], %squeeze3A_233 {strides = array<i32>} : memref<327680xf32, #tpu.memory_space<vmem>>, vector<256xf32>,
    %slice3A_240 = vector.extract_strided_slice %transpose3A {offsets = [29, 0], sizes = [1, 256], strides = [1, 1]} : vector<32x256xf32> to vector<1x256xf32>
    %squeeze3A_241 = vector.shape_cast %slice3A_240 : vector<1x256xf32> to vector<256xf32>
    %mul3A_242 = arith.constant 256 : i32
    %mul3A_243 = arith.muli %arg0, %mul3A_242 : i32
    %add3A_244 = arith.constant 296960 : i32
    %add3A_245 = arith.addi %add3A_244, %mul3A_243 : i32
    %swap3A_246 = arith.index_cast %add3A_245 : i32 to index
    %swap3A_247 = vector.load %arg5[%swap3A_246] : memref<327680xf32, #tpu.memory_space<vmem>>, vector<256xf32>
    tpu.vector_store %arg5[%swap3A_246], %squeeze3A_241 {strides = array<i32>} : memref<327680xf32, #tpu.memory_space<vmem>>, vector<256xf32>,
    %slice3A_248 = vector.extract_strided_slice %transpose3A {offsets = [30, 0], sizes = [1, 256], strides = [1, 1]} : vector<32x256xf32> to vector<1x256xf32>
    %squeeze3A_249 = vector.shape_cast %slice3A_248 : vector<1x256xf32> to vector<256xf32>
    %mul3A_250 = arith.constant 256 : i32
    %mul3A_251 = arith.muli %arg0, %mul3A_250 : i32
    %add3A_252 = arith.constant 307200 : i32
    %add3A_253 = arith.addi %add3A_252, %mul3A_251 : i32
    %swap3A_254 = arith.index_cast %add3A_253 : i32 to index
    %swap3A_255 = vector.load %arg5[%swap3A_254] : memref<327680xf32, #tpu.memory_space<vmem>>, vector<256xf32>
    tpu.vector_store %arg5[%swap3A_254], %squeeze3A_249 {strides = array<i32>} : memref<327680xf32, #tpu.memory_space<vmem>>, vector<256xf32>,
    %slice3A_256 = vector.extract_strided_slice %transpose3A {offsets = [31, 0], sizes = [1, 256], strides = [1, 1]} : vector<32x256xf32> to vector<1x256xf32>
    %squeeze3A_257 = vector.shape_cast %slice3A_256 : vector<1x256xf32> to vector<256xf32>
    %mul3A_258 = arith.constant 256 : i32
    %mul3A_259 = arith.muli %arg0, %mul3A_258 : i32
    %add3A_260 = arith.constant 317440 : i32
    %add3A_261 = arith.addi %add3A_260, %mul3A_259 : i32
    %swap3A_262 = arith.index_cast %add3A_261 : i32 to index
    %swap3A_263 = vector.load %arg5[%swap3A_262] : memref<327680xf32, #tpu.memory_space<vmem>>, vector<256xf32>
    tpu.vector_store %arg5[%swap3A_262], %squeeze3A_257 {strides = array<i32>} : memref<327680xf32, #tpu.memory_space<vmem>>, vector<256xf32>,
    return
  }
  func.func @transform_0(%arg0: i32) -> (i32, i32) {
    %c0_i32 = arith.constant 0 : i32
    %c0_i32_0 = arith.constant 0 : i32
    return %arg0, %c0_i32 : i32, i32
  }
  func.func @transform_1(%arg0: i32) -> (i32, i32) {
    %c0_i32 = arith.constant 0 : i32
    %c0_i32_0 = arith.constant 0 : i32
    %c0_i32_1 = arith.constant 0 : i32
    return %c0_i32, %c0_i32_0 : i32, i32
  }
  func.func @transform_2(%arg0: i32) -> (i32, i32) {
    %c0_i32 = arith.constant 0 : i32
    %c0_i32_0 = arith.constant 0 : i32
    %c0_i32_1 = arith.constant 0 : i32
    return %c0_i32, %c0_i32_0 : i32, i32
  }
  func.func @transform_3(%arg0: i32) -> (i32, i32) {
    %c0_i32 = arith.constant 0 : i32
    %c0_i32_0 = arith.constant 0 : i32
    %c0_i32_1 = arith.constant 0 : i32
    return %c0_i32, %c0_i32_0 : i32, i32
  }
  func.func @transform_4(%arg0: i32) -> i32 {
    %c0_i32 = arith.constant 0 : i32
    %c0_i32_0 = arith.constant 0 : i32
    return %c0_i32 : i32
  }
}

</mosaic_0001>

<sc_bundles>
// kernel: kernel.4.cloned.1.call-start
scs
__scs_entry_jumppad:
0x0: {  	(pc) =	sbr.rel $0x88, $3  }
0x1: {  	(tag) =	ssettag $0x0;
	lr =	simm.s32 $0x1  }
0x2: {  	[smem:$0x3F9A] =	sst lr;
	_ =	strace $0xD0000000  }
0x3: {  	_ = 	snop  }
0x4: {  	_ = 	snop  }
0x5: {  	_ = 	snop  }
0x6: {  	_ = 	snop  }
0x7: {  	_ = 	snop  }
__scs_overlays_trampoline_lowered:
0x8: {  	[smem:$0x3FA9] =	sst s0  }
0x9: {  	[smem:$0x3FAA] =	sst s1  }
0xa: {  	[smem:$0x3FAB] =	sst s2  }
0xb: {  	[smem:$0x3FAC] =	sst s3  }
0xc: {  	[smem:$0x3FAD] =	sst s4  }
0xd: {  	[smem:$0x3FAE] =	sst s5  }
0xe: {  	[smem:$0x3FAF] =	sst s6  }
0xf: {  	[smem:$0x3FB0] =	sst s7  }
0x10: {  	[smem:$0x3FB1] =	sst s8  }
0x11: {  	[smem:$0x3FB2] =	sst s9;
	s0 =	simm.s32 @!p0 $0x0  }
0x12: {  	s1 =	sld [smem:$0x3F98];
	s0 =	simm.s32 @p0 $0x1  }
0x13: {  	[smem:$0x3FB3] =	sst s0;
	s0 =	simm.s32 @!p1 $0x0  }
0x14: {  	s2 =	sld [smem:$0x3F97];
	s0 =	simm.s32 @p1 $0x1  }
0x15: {  	[smem:$0x3FB4] =	sst s0;
	s0 =	simm.s32 @!p2 $0x0  }
0x16: {  	s3 =	sld [smem:$0x3FDB];
	s0 =	simm.s32 @p2 $0x1  }
0x17: {  	s4 =	simm.s32 $0x1BF5;
	[smem:$0x3FB6] =	sst s0  }
0x18: {  	s0 =	sld [smem:$0x3F99];
	_ =	swait.ge [sflag:s4], $0x0  }
0x19: {  	s7 =	sld [smem:$0x3F9A]  }
0x1a: {  	s8 =	sadd.s32 $0xFFFFE003, lr  }
0x1b: {  	s9 =	sadd.s32 $0xFFFFFEF7, lr;
	s5 =	simm.s32 $0xFFFFFFFF;
	p2 =	slt.u32 s8, $0xFFFFF086  }
0x1c: {  	p1 =	slt.u32 s9, $0xF7A;
	s5 =	simm.s32 @!p2 $0x0  }
0x1d: {  	s5 =	simm.s32 @p1 $0x1;
	p0 =	seq.s32 s7, s2  }
0x1e: {  	s7 =	smul.u32 @!p0 $0xF7A, s2;
	p2 =	seq.s32 @!p0 s5, $0x0  }
0x1f: {  	s9 =	smul.u32 $0xF7A, s1;
	s8 =	simm.s32 @!p0 $0x1BF5;
	p2 =	por !p2, p0  }
0x20: {  	[sflag:s8] =	ssyncset.s32 @!p0 $0xFFFFF086;
	s6 =	sadd.s32 @!p0 s3, s7;
	s7 =	simm.s32 @!p0 $0x108  }
0x21: {  	s3 =	sadd.s32 s3, s9;
	s6 =	sadd.s32 @!p0 $0x88, s6;
	s7 =	simm.s32 @p2 $0x1082  }
0x22: {  	[simem:s7], [sflag:s8] =	dma.local @!p0 [hbm:s6], $0xF7A  }
0x23: {  	s9 =	sor.u32 $0xD0000000, s2;
	s6 =	simm.s32 $0x108;
	_ =	swait.ge @!p0 [sflag:s8], $0x0  }
0x24: {  	s3 =	sadd.s32 $0x88, s3;
	s6 =	simm.s32 @!p1 $0x1082;
	[sflag:s4] =	ssyncset.s32 $0xFFFFF086  }
0x25: {  	[simem:s6], [sflag:s4] =	dma.local [hbm:s3], $0xF7A  }
0x26: {  	[smem:$0x3F9A] =	sst s1;
	(tag) =	ssettag s2;
	_ =	strace s9  }
0x27: {  	s1 =	sld [smem:$0x3FAA]  }
0x28: {  	s2 =	sld [smem:$0x3FAB]  }
0x29: {  	s4 =	sld [smem:$0x3FAD]  }
0x2a: {  	p0 =	seq.s32 s5, $0x0;
	s5 =	sld [smem:$0x3FAE]  }
0x2b: {  	s6 =	sld [smem:$0x3FAF]  }
0x2c: {  	s7 =	sld [smem:$0x3FB0]  }
0x2d: {  	s3 =	simm.s32 $0x108;
	s8 =	sld [smem:$0x3FB1]  }
0x2e: {  	s3 =	simm.s32 @!p0 $0x1082;
	s9 =	sld [smem:$0x3FB2]  }
0x2f: {  	lr =	sadd.s32 s0, s3;
	s0 =	sld [smem:$0x3FA9]  }
0x30: {  	s3 =	sld [smem:$0x3FAC]  }
0x31: {  	[smem:$0x3FB5] =	sst s10  }
0x32: {  	s10 =	sld [smem:$0x3FB3];
	_ =	sdelay $0x3  }
0x33: {  	p0 =	seq.s32 s10, $0x1;
	s10 =	sld [smem:$0x3FB5];
	_ =	sdelay $0x3  }
0x34: {  	[smem:$0x3FB5] =	sst s10  }
0x35: {  	s10 =	sld [smem:$0x3FB4];
	_ =	sdelay $0x3  }
0x36: {  	p1 =	seq.s32 s10, $0x1;
	s10 =	sld [smem:$0x3FB5];
	_ =	sdelay $0x3  }
0x37: {  	[smem:$0x3FB5] =	sst s10  }
0x38: {  	s10 =	sld [smem:$0x3FB6]  }
0x39: {  	_ = 	snop;
	(pc) =	sbr.ind lr, $3  }
0x3a: {  	_ = 	snop  }
0x3b: {  	_ = 	snop  }
0x3c: {  	p2 =	seq.s32 s10, $0x1;
	s10 =	sld [smem:$0x3FB5]  }
0x3d: {  	_ =	shalt  }
0x3e: {  	_ =	shalt  }
0x3f: {  	_ =	shalt  }
0x40: {  	_ =	shalt  }
0x41: {  	_ =	shalt  }
0x42: {  	_ =	shalt  }
0x43: {  	_ =	shalt  }
0x44: {  	_ =	shalt  }
0x45: {  	_ =	shalt  }
0x46: {  	_ =	shalt  }
0x47: {  	_ =	shalt  }
0x48: {  	_ =	shalt  }
0x49: {  	_ =	shalt  }
0x4a: {  	_ =	shalt  }
0x4b: {  	_ =	shalt  }
0x4c: {  	_ =	shalt  }
0x4d: {  	_ =	shalt  }
0x4e: {  	_ =	shalt  }
0x4f: {  	_ =	shalt  }
0x50: {  	_ =	shalt  }
0x51: {  	_ =	shalt  }
0x52: {  	_ =	shalt  }
0x53: {  	_ =	shalt  }
0x54: {  	_ =	shalt  }
0x55: {  	_ =	shalt  }
0x56: {  	_ =	shalt  }
0x57: {  	_ =	shalt  }
0x58: {  	_ =	shalt  }
0x59: {  	_ =	shalt  }
0x5a: {  	_ =	shalt  }
0x5b: {  	_ =	shalt  }
0x5c: {  	_ =	shalt  }
0x5d: {  	_ =	shalt  }
0x5e: {  	_ =	shalt  }
0x5f: {  	_ =	shalt  }
0x60: {  	_ =	shalt  }
0x61: {  	_ =	shalt  }
0x62: {  	_ =	shalt  }
0x63: {  	_ =	shalt  }
0x64: {  	_ =	shalt  }
0x65: {  	_ =	shalt  }
0x66: {  	_ =	shalt  }
0x67: {  	_ =	shalt  }
0x68: {  	_ =	shalt  }
0x69: {  	_ =	shalt  }
0x6a: {  	_ =	shalt  }
0x6b: {  	_ =	shalt  }
0x6c: {  	_ =	shalt  }
0x6d: {  	_ =	shalt  }
0x6e: {  	_ =	shalt  }
0x6f: {  	_ =	shalt  }
0x70: {  	_ =	shalt  }
0x71: {  	_ =	shalt  }
0x72: {  	_ =	shalt  }
0x73: {  	_ =	shalt  }
0x74: {  	_ =	shalt  }
0x75: {  	_ =	shalt  }
0x76: {  	_ =	shalt  }
0x77: {  	_ =	shalt  }
0x78: {  	_ =	shalt  }
0x79: {  	_ =	shalt  }
0x7a: {  	_ =	shalt  }
0x7b: {  	_ =	shalt  }
0x7c: {  	_ =	shalt  }
0x7d: {  	_ =	shalt  }
0x7e: {  	_ =	shalt  }
0x7f: {  	_ =	shalt  }
0x80: {  	_ =	shalt  }
0x81: {  	_ =	shalt  }
0x82: {  	_ =	shalt  }
0x83: {  	_ =	shalt  }
0x84: {  	_ =	shalt  }
0x85: {  	_ =	shalt  }
0x86: {  	_ =	shalt  }
0x87: {  	_ =	shalt  }
.Lfunc_end0:
.L_simem_size_0:
called_computation_lowered:
.L_overlay_start_0:
0x88: {  	s2 =	sld [smem:$0x3FD9]  }
0x89: {  	s3 =	sld [smem:$0x3FFE];
	_ =	sdelay $0x1  }
0x8a: {  	s1 =	srdreg.scid  }
0x8b: {  	s0 =	sand.u32 $0x1, s1  }
0x8c: {  	s14 =	sshll.u32 s0, $0xA;
	s2 =	sadd.s32 s3, s2  }
0x8d: {  	s2 =	sadd.s32 s2, s14  }
0x8e: {  	[smem:$0x3FC1] =	sst s2  }
0x8f: {  	_ = 	snop  }
0x90: {  	s2 =	sld [smem:$0x3FD0]  }
0x91: {  	s15 =	sld [smem:$0x3FC7]  }
0x92: {  	s4 =	sld [smem:$0x3FC6]  }
0x93: {  	s6 =	simm.s32 $0xA;
	s7 =	simm.s32 $0x10;
	s5 =	sld [smem:$0x3FC5]  }
0x94: {  	[smem:s7], [sflag:s6] =	dma.local [hbm:s2], $0x1  }
0x95: {  	_ =	swait.eq [sflag:s6], $0x1  }
0x96: {  	[sflag:s6] =	ssyncset.done $0x0  }
0x97: {  	s16 =	sld [smem:$0x10];
	[sflag:s6] =	ssyncadd.s32 $0xFFFFFFFF  }
0x98: {  	s17 =	sld [smem:$0x11];
	(tm) =	ssettm $0x1  }
0x99: {  	s18 =	sld [smem:$0x3FFB];
	_ =	sdelay $0x3  }
0x9a: {  	_ =	strace s18  }
0x9b: {  	s7 =	sld [smem:$0x3FFC];
	_ =	sdelay $0x3  }
0x9c: {  	_ =	strace s7  }
0x9d: {  	s7 =	sld [smem:$0x3FFD];
	_ =	sdelay $0x3  }
0x9e: {  	_ =	strace s7  }
0x9f: {  	_ =	strace $0x8FFFFFFF  }
0xa0: {  	s19 =	sld [smem:$0x3FDB];
	_ =	sdelay $0x1  }
0xa1: {  	s8 =	simm.s32 $_scs_section_size  }
0xa2: {  	s9 =	simm.s32 $_size__tile_overlayer_lowered;
	s10 =	simm.s32 $_tile_overlayer_lowered  }
0xa3: {  	s22 =	simm.s32 $0x1BFF;
	s21 =	sshll.u32 s10, $0x1;
	s7 =	sadd.s32 s8, s19  }
0xa4: {  	s11 =	simm.s32 $0x0;
	s20 =	sshll.u32 s9, $0x1;
	s9 =	sadd.s32 s21, s7  }
0xa5: {  	[timem:s11], [sflag:s22] =	dma.local [hbm:s9], s20  }
0xa6: {  	_ =	swait.ge [sflag:s22], s20  }
0xa7: {  	s8 =	ssub.s32 $0x0, s20;
	[sflag:s22] =	ssyncset.done $0x0  }
0xa8: {  	[sflag:s22] =	ssyncadd.s32 s8;
	_ =	sdelay $0x1  }
0xa9: {  	s23 =	simm.s32 $0x1B8B  }
0xaa: {  	_ =	swait.ge [sflag:s23], $0x1  }
0xab: {  	[sflag:s23] =	ssyncset.done $0x0  }
0xac: {  	s25 =	simm.s32 $0x1B8E;
	s24 =	sld [smem:$0x3FFE];
	[sflag:s23] =	ssyncadd.s32 $0xFFFFFFFF  }
0xad: {  	s26 =	simm.s32 $execute0_lowered;
	[smem:$0x3FD2] =	sst s25  }
0xae: {  	s9 =	sshll.u32 s26, $0x1;
	_ =	strace $0x80000046;
	[dreg:$0x1] =	wrdreg $0xFFFFFFFF  }
0xaf: {  	s28 =	simm.s32 $_size_execute0_lowered;
	s7 =	sadd.s32 s7, s9;
	[dreg:$0x0] =	wrdreg $0x0  }
0xb0: {  	s9 =	sshll.u32 s28, $0x1;
	[dreg:$0x2] =	wrdreg s7  }
0xb1: {  	[dreg:$0x3] =	wrdreg s9  }
0xb2: {  	[dreg:$0x4] =	wrdreg $0xC0  }
0xb3: {  	_ =	task [dreg:s11], $0x5FFFF  }
0xb4: {  	[dreg:$0x1] =	wrdreg $0xFFFFFFFF  }
0xb5: {  	[dreg:$0x0] =	wrdreg $0x60  }
0xb6: {  	[dreg:$0x2] =	wrdreg s24  }
0xb7: {  	[dreg:$0x3] =	wrdreg s15  }
0xb8: {  	[dreg:$0x4] =	wrdreg s4  }
0xb9: {  	[dreg:$0x5] =	wrdreg s5  }
0xba: {  	[dreg:$0x6] =	wrdreg s16  }
0xbb: {  	[dreg:$0x7] =	wrdreg s17  }
0xbc: {  	[dreg:$0x8] =	wrdreg $0x134000  }
0xbd: {  	[dreg:$0x9] =	wrdreg $0x154000  }
0xbe: {  	[dreg:$0xa] =	wrdreg $0x9  }
0xbf: {  	_ =	task.clear_ibuf [dreg:s11], $0xBFFFF;
	_ =	strace $0x90000046  }
0xc0: {  	s29 =	simm.s32 $0x9;
	_ =	strace $0x80000048  }
0xc1: {  	_ =	swait.ge [sflag:s29], $0x1  }
0xc2: {  	[sflag:s29] =	ssyncadd.s32 $0xFFFFFFFF  }
0xc3: {  	_ =	strace $0x90000048  }
0xc4: {  	_ =	sfence  }
0xc5: {  	s30 =	sld [smem:$0x0];
	_ =	sdelay $0x2  }
0xc6: {  	s31 =	sshll.u32 s1, $0xD;
	s1 =	sshrl.u32 s1, $0x2  }
0xc7: {  	s3 =	sand.u32 $0x4000, s31;
	s1 =	sadd.s32 s1, s30  }
0xc8: {  	s0 =	sor.u32 s3, s0;
	s1 =	sshll.u32 s1, $0x11  }
0xc9: {  	s0 =	sor.u32 s1, s0  }
0xca: {  	s0 =	sadd.s32 $0x8F2B, s0  }
0xcb: {  	[sflag:s0] =	ssyncadd.remote.s32 $0x1  }
0xcc: {  	_ =	sfence.sel $0xFFFF  }
0xcd: {  	[dreg:$0x0] =	wrdreg $0xFFFFFFFF;
	(pc) =	sbr.abs _section_cstart, $3  }
0xce: {  	[dreg:$0x1] =	wrdreg $0xFFFFFFFF  }
0xcf: {  	_ =	task.clear_ibuf [dreg:s11], $0x2FFFF;
	_ =	strace $0x9FFFFFFF  }
0xd0: {  	(tm) =	ssettm $0x7FFFFFFF  }
0xd1: {  	_ =	shalt  }
tec
execute0_lowered:
.L_overlay_start_1:
0x0: {  	(tag) =	ssettag $0x1  }
0x1: {  	s0 =	rddreg [dreg:$0x0]  }
0x2: {  	s1 =	rddreg [dreg:$0x1]  }
0x3: {  	s3 =	rddreg [dreg:$0x2]  }
0x4: {  	s4 =	rddreg [dreg:$0x3]  }
0x5: {  	s5 =	rddreg [dreg:$0x4]  }
0x6: {  	s6 =	rddreg [dreg:$0x5]  }
0x7: {  	s7 =	rddreg [dreg:$0x6]  }
0x8: {  	s8 =	rddreg [dreg:$0x7]  }
0x9: {  	s12 =	stileid.u32;
	s9 =	srdreg.scid  }
0xa: {  	s2 =	simm.s32 $0x0;
	s17 =	simm.s32 $0x1;
	s28 =	simm.s32 $0x10000  }
0xb: {  	s10 =	smul.u32 $0xA00, s12;
	s9 =	sand.u32 $0x1, s9;
	[smem:$0x7FF] =	sst s2  }
0xc: {  	s19 =	sshll.u32 s12, $0xD;
	s20 =	sshll.u32 s12, $0x7;
	s29 =	sshll.u32 s12, $0x6  }
0xd: {  	s30 =	sshll.u32 s12, $0xC;
	s11 =	ssub.s32 $0x2, s9;
	_ =	strace $0x80000047  }
0xe: {  	s21 =	sshll.u32 s9, $0xA;
	s22 =	sor.u32 s20, s19;
	s31 =	sadd.s32 s30, s7  }
0xf: {  	s19 =	simm.s32 $0x3;
	s20 =	simm.s32 $0x4;
	s0 =	sadd.s32 s10, s0  }
0x10: {  	s18 =	sshrl.u32 s11, $0x1;
	s1 =	sadd.s32 s1, s21;
	[dreg:$0xf] =	wrdreg s31  }
0x11: {  	s23 =	sadd.s32 s3, s21;
	s24 =	sand.u32 $0x10380, s22;
	[dreg:$0xa] =	wrdreg s1  }
0x12: {  	s25 =	sadd.s32 s4, s21;
	s10 =	sadd.s32 s30, s8;
	[dreg:$0xb] =	wrdreg s23  }
0x13: {  	s13 =	ssub.s32 s11, s18;
	s0 =	sadd.s32 $0xC00, s0;
	[dreg:$0xc] =	wrdreg s25  }
0x14: {  	s26 =	sadd.s32 s24, s7;
	s1 =	sadd.s32 s24, s8;
	[dreg:$0x9] =	wrdreg s0  }
0x15: {  	s18 =	simm.s32 $0x2;
	s24 =	simm.s32 $0x5;
	[dreg:$0xd] =	wrdreg s26  }
0x16: {  	[dreg:$0xe] =	wrdreg s1;
	s0 =	sor.u32 s29, s21;
	s13 =	smax.u32 s13, $0x1  }
0x17: {  	s1 =	simm.s32 $0x0;
	s11 =	sadd.s32 s5, s0;
	s12 =	sadd.s32 s6, s0  }
.LBB2_1:
0x18: {  	s0 =	rddreg [dreg:$0x9]  }
0x19: {  	[tilespmem:s2], [sflag:$0x1] =	stream.linear.gather [hbm4b:s0+s2], $0x5000, $0x38;
	[tilespmem:$0x17400] =	vst v63  }
0x1a: {  	s22 =	rddreg [dreg:$0xa];
	s3 =	simm.s32 $0x5000  }
0x1b: {  	[tilespmem:s3], [sflag:$0x2] =	stream.linear.gather [hbm4b:s22+s2], $0x2000, $0x38;
	[tilespmem:$0x17400] =	vst v63  }
0x1c: {  	s23 =	rddreg [dreg:$0xb];
	s25 =	simm.s32 $0x7000  }
0x1d: {  	[tilespmem:s25], [sflag:$0x3] =	stream.linear.gather [hbm4b:s23+s2], $0x2000, $0x38;
	[tilespmem:$0x17400] =	vst v63  }
0x1e: {  	s26 =	rddreg [dreg:$0xc];
	s30 =	simm.s32 $0x9000  }
0x1f: {  	[tilespmem:s30], [sflag:$0x4] =	stream.linear.gather [hbm4b:s26+s2], $0x2000, $0x38;
	[tilespmem:$0x17400] =	vst v63  }
0x20: {  	_ =	swait.ge [sflag:s17], $0x5000  }
0x21: {  	[sflag:s17] =	ssyncset.done $0x0  }
0x22: {  	[sflag:s17] =	ssyncadd.s32 $0xFFFFB000  }
0x23: {  	_ =	swait.ge [sflag:s18], $0x2000  }
0x24: {  	[sflag:s18] =	ssyncset.done $0x0  }
0x25: {  	[sflag:s18] =	ssyncadd.s32 $0xFFFFE000  }
0x26: {  	_ =	swait.ge [sflag:s19], $0x2000  }
0x27: {  	[sflag:s19] =	ssyncset.done $0x0  }
0x28: {  	[sflag:s19] =	ssyncadd.s32 $0xFFFFE000  }
0x29: {  	_ =	swait.ge [sflag:s20], $0x2000  }
0x2a: {  	[sflag:s20] =	ssyncset.done $0x0  }
0x2b: {  	s31 =	simm.s32 $0x5040;
	[sflag:s20] =	ssyncadd.s32 $0xFFFFE000  }
0x2c: {  	s14 =	simm.s32 $0x7040;
	v0 =	vld [tilespmem:s31+$0x30]  }
0x2d: {  	s15 =	simm.s32 $0x9040;
	v1 =	vld [tilespmem:s14+$0x30]  }
0x2e: {  	v2 =	vld [tilespmem:s15+$0x30]  }
0x2f: {  	v3 =	vld [tilespmem:s14+$0xFFFFFFC0]  }
0x30: {  	v4 =	vld [tilespmem:s15+$0xFFFFFFC0]  }
0x31: {  	v5 =	vld [tilespmem:s31+$0xFFFFFFD0]  }
0x32: {  	v6 =	vld [tilespmem:s14+$0xFFFFFFD0]  }
0x33: {  	v8 =	vld [tilespmem:s15+$0xFFFFFFD0]  }
0x34: {  	v11 =	vld [tilespmem:s31+$0xFFFFFFE0]  }
0x35: {  	v12 =	vld [tilespmem:s14+$0xFFFFFFE0]  }
0x36: {  	v13 =	vld [tilespmem:s15+$0xFFFFFFE0]  }
0x37: {  	v14 =	vld [tilespmem:s31+$0xFFFFFFF0]  }
0x38: {  	v15 =	vld [tilespmem:s14+$0xFFFFFFF0]  }
0x39: {  	v16 =	vld [tilespmem:s15+$0xFFFFFFF0]  }
0x3a: {  	v17 =	vld [tilespmem:s31+$0x0]  }
0x3b: {  	v18 =	vld [tilespmem:s14+$0x0]  }
0x3c: {  	v19 =	vld [tilespmem:s15+$0x0]  }
0x3d: {  	v20 =	vld [tilespmem:s31+$0x10]  }
0x3e: {  	v21 =	vld [tilespmem:s14+$0x10]  }
0x3f: {  	v22 =	vld [tilespmem:s15+$0x10]  }
0x40: {  	v23 =	vld [tilespmem:s31+$0x20]  }
0x41: {  	v24 =	vld [tilespmem:s14+$0x20]  }
0x42: {  	v25 =	vld [tilespmem:s15+$0x20]  }
0x43: {  	v26 =	vld [tilespmem:s31+$0xFFFFFFC0]  }
0x44: {  	v7 =	vadd.s32 $0x2800, v0;
	v0 =	vld.idx.msk [tilespmem:v0+s2+$0x0], $0xffff  }
0x45: {  	v9 =	vadd.s32 $0x2800, v1;
	v1 =	vld.idx.msk [tilespmem:v1+s2+$0x0], $0xffff  }
0x46: {  	v10 =	vadd.s32 $0x2800, v2;
	v2 =	vld.idx.msk [tilespmem:v2+s2+$0x0], $0xffff  }
0x47: {  	v27 =	vld.idx.msk [tilespmem:v3+s2+$0x0], $0xffff  }
0x48: {  	v28 =	vld.idx.msk [tilespmem:v4+s2+$0x0], $0xffff  }
0x49: {  	v29 =	vld.idx.msk [tilespmem:v5+s2+$0x0], $0xffff  }
0x4a: {  	v30 =	vld.idx.msk [tilespmem:v6+s2+$0x0], $0xffff  }
0x4b: {  	v31 =	vld.idx.msk [tilespmem:v8+s2+$0x0], $0xffff  }
0x4c: {  	v32 =	vld.idx.msk [tilespmem:v11+s2+$0x0], $0xffff  }
0x4d: {  	v33 =	vld.idx.msk [tilespmem:v12+s2+$0x0], $0xffff  }
0x4e: {  	v34 =	vld.idx.msk [tilespmem:v26+s2+$0x0], $0xffff  }
0x4f: {  	v35 =	vld.idx.msk [tilespmem:v13+s2+$0x0], $0xffff  }
0x50: {  	v36 =	vld.idx.msk [tilespmem:v14+s2+$0x0], $0xffff  }
0x51: {  	v37 =	vld.idx.msk [tilespmem:v15+s2+$0x0], $0xffff  }
0x52: {  	v38 =	vld.idx.msk [tilespmem:v16+s2+$0x0], $0xffff  }
0x53: {  	v39 =	vld.idx.msk [tilespmem:v17+s2+$0x0], $0xffff  }
0x54: {  	v40 =	vld.idx.msk [tilespmem:v18+s2+$0x0], $0xffff  }
0x55: {  	v41 =	vld.idx.msk [tilespmem:v19+s2+$0x0], $0xffff  }
0x56: {  	v42 =	vld.idx.msk [tilespmem:v20+s2+$0x0], $0xffff  }
0x57: {  	v55 =	vld.idx.msk [tilespmem:v21+s2+$0x0], $0xffff  }
0x58: {  	v3 =	vadd.s32 $0x2800, v3;
	v43 =	vld.idx.msk [tilespmem:v22+s2+$0x0], $0xffff  }
0x59: {  	v4 =	vadd.s32 $0x2800, v4;
	v44 =	vld.idx.msk [tilespmem:v23+s2+$0x0], $0xffff  }
0x5a: {  	v5 =	vadd.s32 $0x2800, v5;
	v7 =	vld.idx.msk [tilespmem:v7+s2+$0x0], $0xffff  }
0x5b: {  	v6 =	vadd.s32 $0x2800, v6;
	v9 =	vld.idx.msk [tilespmem:v9+s2+$0x0], $0xffff  }
0x5c: {  	v8 =	vadd.s32 $0x2800, v8;
	v10 =	vld.idx.msk [tilespmem:v10+s2+$0x0], $0xffff  }
0x5d: {  	v11 =	vadd.s32 $0x2800, v11;
	v3 =	vld.idx.msk [tilespmem:v3+s2+$0x0], $0xffff  }
0x5e: {  	v12 =	vadd.s32 $0x2800, v12;
	v4 =	vld.idx.msk [tilespmem:v4+s2+$0x0], $0xffff  }
0x5f: {  	v13 =	vadd.s32 $0x2800, v13;
	v5 =	vld.idx.msk [tilespmem:v5+s2+$0x0], $0xffff  }
0x60: {  	v14 =	vadd.s32 $0x2800, v14;
	v6 =	vld.idx.msk [tilespmem:v6+s2+$0x0], $0xffff  }
0x61: {  	v15 =	vadd.s32 $0x2800, v15;
	v16 =	vadd.s32 $0x2800, v16;
	v17 =	vadd.s32 $0x2800, v17;
	v8 =	vld.idx.msk [tilespmem:v8+s2+$0x0], $0xffff  }
0x62: {  	v1 =	vmul.f32 v1, v0;
	v0 =	vmul.f32 v2, v0;
	v2 =	vadd.s32 $0x2800, v26;
	v11 =	vld.idx.msk [tilespmem:v11+s2+$0x0], $0xffff  }
0x63: {  	v18 =	vadd.s32 $0x2800, v18;
	v19 =	vadd.s32 $0x2800, v19;
	v20 =	vadd.s32 $0x2800, v20;
	v12 =	vld.idx.msk [tilespmem:v12+s2+$0x0], $0xffff  }
0x64: {  	v21 =	vadd.s32 $0x2800, v21;
	v27 =	vmul.f32 v27, v34;
	v28 =	vmul.f32 v28, v34;
	v13 =	vld.idx.msk [tilespmem:v13+s2+$0x0], $0xffff  }
0x65: {  	v22 =	vadd.s32 $0x2800, v22;
	v56 =	vmul.f32 v33, v32;
	v57 =	vmul.f32 v35, v32;
	v14 =	vld.idx.msk [tilespmem:v14+s2+$0x0], $0xffff  }
0x66: {  	v23 =	vadd.s32 $0x2800, v23;
	v58 =	vmul.f32 v37, v36;
	v59 =	vmul.f32 v38, v36;
	v15 =	vld.idx.msk [tilespmem:v15+s2+$0x0], $0xffff  }
0x67: {  	v60 =	vmul.f32 v40, v39;
	v61 =	vmul.f32 v41, v39;
	v1 =	vadd.f32 $0.0e+00, v1;
	v2 =	vld.idx.msk [tilespmem:v2+s2+$0x0], $0xffff  }
0x68: {  	v16 =	vld.idx.msk [tilespmem:v16+s2+$0x0], $0xffff;
	v9 =	vmul.f32 v9, v7;
	v0 =	vadd.f32 $0.0e+00, v0;
	v7 =	vmul.f32 v10, v7  }
0x69: {  	v10 =	vld.idx.msk [tilespmem:v24+s2+$0x0], $0xffff;
	v24 =	vadd.s32 $0x2800, v24;
	v27 =	vadd.f32 $0.0e+00, v27;
	v28 =	vadd.f32 $0.0e+00, v28  }
0x6a: {  	v17 =	vld.idx.msk [tilespmem:v17+s2+$0x0], $0xffff;
	v32 =	vadd.f32 $0.0e+00, v58;
	v0 =	vadd.f32 v7, v0;
	v7 =	vmul.f32 v30, v29  }
0x6b: {  	v18 =	vld.idx.msk [tilespmem:v18+s2+$0x0], $0xffff;
	v63 =	vadd.f32 $0.0e+00, v59;
	v1 =	vadd.f32 v9, v1;
	v29 =	vmul.f32 v31, v29  }
0x6c: {  	v19 =	vld.idx.msk [tilespmem:v19+s2+$0x0], $0xffff;
	v30 =	vadd.f32 $0.0e+00, v56;
	v7 =	vadd.f32 $0.0e+00, v7;
	v3 =	vmul.f32 v3, v2  }
0x6d: {  	s16 =	simm.s32 $0xB040;
	v9 =	vld.idx.msk [tilespmem:v25+s2+$0x0], $0xffff;
	v29 =	vadd.f32 $0.0e+00, v29;
	v2 =	vmul.f32 v4, v2;
	v4 =	vmul.f32 v6, v5  }
0x6e: {  	s23 =	simm.s32 $0xD040;
	[tilespmem:s16+$0x30] =	vst v1;
	v6 =	vmul.f32 v10, v44;
	v10 =	vmul.f32 v12, v11;
	v3 =	vadd.f32 v3, v27  }
0x6f: {  	[tilespmem:s23+$0x30] =	vst v0;
	v0 =	vmul.f32 v55, v42;
	v5 =	vmul.f32 v8, v5;
	v2 =	vadd.f32 v2, v28  }
0x70: {  	v25 =	vadd.s32 $0x2800, v25;
	v12 =	vadd.f32 v10, v30;
	v10 =	vld.idx.msk [tilespmem:v21+s2+$0x0], $0xffff;
	[tilespmem:s16+$0xFFFFFFC0] =	vst v3;
	v3 =	vadd.f32 v4, v7  }
0x71: {  	v1 =	vadd.f32 $0.0e+00, v57;
	v4 =	vld.idx.msk [tilespmem:v20+s2+$0x0], $0xffff;
	[tilespmem:s23+$0xFFFFFFC0] =	vst v2;
	v2 =	vadd.f32 v5, v29;
	v5 =	vmul.f32 v13, v11  }
0x72: {  	v0 =	vadd.f32 $0.0e+00, v0;
	v7 =	vadd.f32 $0.0e+00, v60;
	v13 =	vmul.f32 v15, v14;
	v11 =	vld.idx.msk [tilespmem:v22+s2+$0x0], $0xffff;
	[tilespmem:s16+$0xFFFFFFD0] =	vst v3  }
0x73: {  	[tilespmem:s23+$0xFFFFFFD0] =	vst v2;
	v2 =	vadd.f32 v5, v1;
	v5 =	vmul.f32 v16, v14;
	v14 =	vmul.f32 v9, v44  }
0x74: {  	v62 =	vmul.f32 v43, v42;
	[tilespmem:s16+$0xFFFFFFE0] =	vst v12;
	v13 =	vadd.f32 v13, v32;
	v9 =	vld.idx.msk [tilespmem:v23+s2+$0x0], $0xffff;
	v1 =	vadd.f32 $0.0e+00, v6  }
0x75: {  	v6 =	vld.idx.msk [tilespmem:v24+s2+$0x0], $0xffff;
	[tilespmem:s23+$0xFFFFFFE0] =	vst v2;
	v12 =	vadd.f32 v5, v63;
	v2 =	vadd.f32 $0.0e+00, v14;
	v14 =	vmul.f32 v18, v17  }
0x76: {  	s29 =	simm.s32 $0x50C0;
	s25 =	simm.s32 $0x0;
	v8 =	vadd.f32 $0.0e+00, v61;
	v3 =	vadd.f32 $0.0e+00, v62;
	[tilespmem:s16+$0xFFFFFFF0] =	vst v13;
	v13 =	vmul.f32 v19, v17;
	v5 =	vld.idx.msk [tilespmem:v25+s2+$0x0], $0xffff  }
.LBB2_2:
0x77: {  	v15 =	vld [tilespmem:s29+$0x30];
	[tilespmem:s23+$0xFFFFFFF0] =	vst v12;
	v7 =	vadd.f32 v14, v7;
	s14 =	sadd.s32 $0x80, s14  }
0x78: {  	v10 =	vmul.f32 v10, v4;
	s15 =	sadd.s32 $0x80, s15;
	v12 =	vld [tilespmem:s14+$0x30];
	v8 =	vadd.f32 v13, v8  }
0x79: {  	v4 =	vmul.f32 v11, v4;
	v13 =	vld [tilespmem:s15+$0x30];
	[tilespmem:s16+$0x0] =	vst v7  }
0x7a: {  	s25 =	sadd.s32 $0x8, s25;
	v0 =	vadd.f32 v10, v0;
	v7 =	vld [tilespmem:s14+$0xFFFFFFC0];
	[tilespmem:s23+$0x0] =	vst v8  }
0x7b: {  	p0 =	slt.u32 s25, $0x1F8;
	v3 =	vadd.f32 v4, v3;
	v4 =	vmul.f32 v6, v9;
	v8 =	vld [tilespmem:s15+$0xFFFFFFC0]  }
0x7c: {  	v6 =	vld [tilespmem:s29+$0xFFFFFFD0];
	[tilespmem:s16+$0x10] =	vst v0;
	v0 =	vmul.f32 v5, v9  }
0x7d: {  	v9 =	vadd.s32 $0x2800, v15;
	v1 =	vadd.f32 v4, v1;
	v5 =	vld [tilespmem:s14+$0xFFFFFFD0];
	[tilespmem:s23+$0x10] =	vst v3  }
0x7e: {  	v11 =	vadd.s32 $0x2800, v12;
	v10 =	vld [tilespmem:s15+$0xFFFFFFD0];
	v2 =	vadd.f32 v0, v2  }
0x7f: {  	v0 =	vadd.s32 $0x2800, v7;
	v14 =	vld.idx.msk [tilespmem:v15+s2+$0x0], $0xffff;
	v15 =	vadd.s32 $0x2800, v13;
	[tilespmem:s16+$0x20] =	vst v1  }
0x80: {  	v1 =	vadd.s32 $0x2800, v8;
	v12 =	vld.idx.msk [tilespmem:v12+s2+$0x0], $0xffff;
	[tilespmem:s23+$0x20] =	vst v2  }
0x81: {  	v3 =	vadd.s32 $0x2800, v6;
	v13 =	vld.idx.msk [tilespmem:v13+s2+$0x0], $0xffff  }
0x82: {  	v4 =	vadd.s32 $0x2800, v5;
	v9 =	vld.idx.msk [tilespmem:v9+s2+$0x0], $0xffff  }
0x83: {  	v2 =	vadd.s32 $0x2800, v10;
	v11 =	vld.idx.msk [tilespmem:v11+s2+$0x0], $0xffff  }
0x84: {  	v15 =	vld.idx.msk [tilespmem:v15+s2+$0x0], $0xffff  }
0x85: {  	v16 =	vld [tilespmem:s29+$0xFFFFFFE0]  }
0x86: {  	v17 =	vld [tilespmem:s14+$0xFFFFFFE0]  }
0x87: {  	v12 =	vmul.f32 v12, v14;
	v18 =	vld [tilespmem:s15+$0xFFFFFFE0]  }
0x88: {  	v13 =	vmul.f32 v13, v14;
	v19 =	vld [tilespmem:s29+$0xFFFFFFF0]  }
0x89: {  	v12 =	vadd.f32 $0.0e+00, v12;
	v11 =	vmul.f32 v11, v9;
	v14 =	vld [tilespmem:s14+$0xFFFFFFF0]  }
0x8a: {  	v13 =	vadd.f32 $0.0e+00, v13;
	v9 =	vmul.f32 v15, v9;
	v20 =	vadd.s32 $0x2800, v16;
	v21 =	vld [tilespmem:s15+$0xFFFFFFF0]  }
0x8b: {  	v11 =	vadd.f32 v11, v12;
	v15 =	vadd.s32 $0x2800, v17;
	v22 =	vld [tilespmem:s29+$0x0]  }
0x8c: {  	s16 =	sadd.s32 $0x80, s16;
	v9 =	vadd.f32 v9, v13;
	v12 =	vadd.s32 $0x2800, v18;
	v23 =	vld [tilespmem:s14+$0x0]  }
0x8d: {  	s23 =	sadd.s32 $0x80, s23;
	v13 =	vadd.s32 $0x2800, v19;
	v24 =	vld [tilespmem:s15+$0x0];
	[tilespmem:s16+$0x30] =	vst v11  }
0x8e: {  	v11 =	vadd.s32 $0x2800, v14;
	v25 =	vld [tilespmem:s29+$0x10];
	[tilespmem:s23+$0x30] =	vst v9  }
0x8f: {  	v9 =	vadd.s32 $0x2800, v21;
	v26 =	vld [tilespmem:s14+$0x10]  }
0x90: {  	v27 =	vadd.s32 $0x2800, v22;
	v28 =	vld [tilespmem:s15+$0x10]  }
0x91: {  	v29 =	vadd.s32 $0x2800, v23;
	v30 =	vld [tilespmem:s29+$0x20]  }
0x92: {  	v31 =	vadd.s32 $0x2800, v24;
	v32 =	vld [tilespmem:s14+$0x20]  }
0x93: {  	v33 =	vadd.s32 $0x2800, v25;
	v34 =	vld [tilespmem:s15+$0x20]  }
0x94: {  	v35 =	vld [tilespmem:s29+$0xFFFFFFC0];
	v36 =	vadd.s32 $0x2800, v26  }
0x95: {  	v7 =	vld.idx.msk [tilespmem:v7+s2+$0x0], $0xffff;
	v37 =	vadd.s32 $0x2800, v28  }
0x96: {  	v8 =	vld.idx.msk [tilespmem:v8+s2+$0x0], $0xffff;
	v38 =	vadd.s32 $0x2800, v30  }
0x97: {  	v39 =	vld.idx.msk [tilespmem:v6+s2+$0x0], $0xffff;
	v6 =	vadd.s32 $0x2800, v32  }
0x98: {  	v40 =	vld.idx.msk [tilespmem:v5+s2+$0x0], $0xffff;
	v5 =	vadd.s32 $0x2800, v34  }
0x99: {  	v41 =	vadd.s32 $0x2800, v35;
	v10 =	vld.idx.msk [tilespmem:v10+s2+$0x0], $0xffff  }
0x9a: {  	v16 =	vld.idx.msk [tilespmem:v16+s2+$0x0], $0xffff  }
0x9b: {  	v17 =	vld.idx.msk [tilespmem:v17+s2+$0x0], $0xffff  }
0x9c: {  	v35 =	vld.idx.msk [tilespmem:v35+s2+$0x0], $0xffff  }
0x9d: {  	v18 =	vld.idx.msk [tilespmem:v18+s2+$0x0], $0xffff  }
0x9e: {  	v40 =	vmul.f32 v40, v39;
	v19 =	vld.idx.msk [tilespmem:v19+s2+$0x0], $0xffff  }
0x9f: {  	v10 =	vmul.f32 v10, v39;
	v14 =	vld.idx.msk [tilespmem:v14+s2+$0x0], $0xffff  }
0xa0: {  	v39 =	vadd.f32 $0.0e+00, v40;
	v21 =	vld.idx.msk [tilespmem:v21+s2+$0x0], $0xffff  }
0xa1: {  	v10 =	vadd.f32 $0.0e+00, v10;
	v17 =	vmul.f32 v17, v16;
	v22 =	vld.idx.msk [tilespmem:v22+s2+$0x0], $0xffff  }
0xa2: {  	v7 =	vmul.f32 v7, v35;
	v8 =	vmul.f32 v8, v35;
	v23 =	vld.idx.msk [tilespmem:v23+s2+$0x0], $0xffff  }
0xa3: {  	v17 =	vadd.f32 $0.0e+00, v17;
	v16 =	vmul.f32 v18, v16;
	v18 =	vld.idx.msk [tilespmem:v24+s2+$0x0], $0xffff  }
0xa4: {  	v24 =	vadd.f32 $0.0e+00, v7;
	v35 =	vadd.f32 $0.0e+00, v8;
	v25 =	vld.idx.msk [tilespmem:v25+s2+$0x0], $0xffff  }
0xa5: {  	v16 =	vadd.f32 $0.0e+00, v16;
	v7 =	vmul.f32 v14, v19;
	v14 =	vld.idx.msk [tilespmem:v26+s2+$0x0], $0xffff  }
0xa6: {  	v8 =	vmul.f32 v21, v19;
	v19 =	vld.idx.msk [tilespmem:v28+s2+$0x0], $0xffff  }
0xa7: {  	v21 =	vadd.f32 $0.0e+00, v7;
	v26 =	vld.idx.msk [tilespmem:v30+s2+$0x0], $0xffff  }
0xa8: {  	v28 =	vadd.f32 $0.0e+00, v8;
	v7 =	vmul.f32 v23, v22;
	v23 =	vld.idx.msk [tilespmem:v32+s2+$0x0], $0xffff  }
0xa9: {  	v8 =	vmul.f32 v18, v22;
	v18 =	vld.idx.msk [tilespmem:v34+s2+$0x0], $0xffff  }
0xaa: {  	v7 =	vadd.f32 $0.0e+00, v7;
	v22 =	vld.idx.msk [tilespmem:v41+s2+$0x0], $0xffff  }
0xab: {  	v8 =	vadd.f32 $0.0e+00, v8;
	v30 =	vld.idx.msk [tilespmem:v0+s2+$0x0], $0xffff;
	v0 =	vmul.f32 v14, v25  }
0xac: {  	v14 =	vld.idx.msk [tilespmem:v1+s2+$0x0], $0xffff;
	v1 =	vmul.f32 v19, v25  }
0xad: {  	v19 =	vld.idx.msk [tilespmem:v3+s2+$0x0], $0xffff;
	v0 =	vadd.f32 $0.0e+00, v0  }
0xae: {  	v4 =	vld.idx.msk [tilespmem:v4+s2+$0x0], $0xffff;
	v3 =	vadd.f32 $0.0e+00, v1;
	v1 =	vmul.f32 v23, v26  }
0xaf: {  	v23 =	vld.idx.msk [tilespmem:v2+s2+$0x0], $0xffff;
	v2 =	vmul.f32 v18, v26  }
0xb0: {  	v18 =	vld.idx.msk [tilespmem:v20+s2+$0x0], $0xffff;
	v1 =	vadd.f32 $0.0e+00, v1  }
0xb1: {  	v20 =	vmul.f32 v30, v22;
	v15 =	vld.idx.msk [tilespmem:v15+s2+$0x0], $0xffff;
	v2 =	vadd.f32 $0.0e+00, v2  }
0xb2: {  	v14 =	vmul.f32 v14, v22;
	v12 =	vld.idx.msk [tilespmem:v12+s2+$0x0], $0xffff  }
0xb3: {  	v20 =	vadd.f32 v20, v24;
	v13 =	vld.idx.msk [tilespmem:v13+s2+$0x0], $0xffff  }
0xb4: {  	v14 =	vadd.f32 v14, v35;
	v4 =	vmul.f32 v4, v19;
	v11 =	vld.idx.msk [tilespmem:v11+s2+$0x0], $0xffff  }
0xb5: {  	v19 =	vmul.f32 v23, v19;
	[tilespmem:s16+$0xFFFFFFC0] =	vst v20;
	v9 =	vld.idx.msk [tilespmem:v9+s2+$0x0], $0xffff  }
0xb6: {  	v4 =	vadd.f32 v4, v39;
	[tilespmem:s23+$0xFFFFFFC0] =	vst v14;
	v20 =	vld.idx.msk [tilespmem:v27+s2+$0x0], $0xffff  }
0xb7: {  	v10 =	vadd.f32 v19, v10;
	v14 =	vmul.f32 v15, v18;
	v15 =	vld.idx.msk [tilespmem:v29+s2+$0x0], $0xffff  }
0xb8: {  	v12 =	vmul.f32 v12, v18;
	[tilespmem:s16+$0xFFFFFFD0] =	vst v4;
	v18 =	vld.idx.msk [tilespmem:v31+s2+$0x0], $0xffff  }
0xb9: {  	v14 =	vadd.f32 v14, v17;
	[tilespmem:s23+$0xFFFFFFD0] =	vst v10;
	v4 =	vld.idx.msk [tilespmem:v33+s2+$0x0], $0xffff  }
.Ltmp0:
0xba: {  	v12 =	vadd.f32 v12, v16;
	v16 =	vmul.f32 v11, v13;
	v10 =	vld.idx.msk [tilespmem:v36+s2+$0x0], $0xffff;
	(pc) =	sbr.rel @p0 .LBB2_2-.Ltmp0, $4  }
0xbb: {  	v13 =	vmul.f32 v9, v13;
	[tilespmem:s16+$0xFFFFFFE0] =	vst v14;
	v11 =	vld.idx.msk [tilespmem:v37+s2+$0x0], $0xffff  }
0xbc: {  	v16 =	vadd.f32 v16, v21;
	[tilespmem:s23+$0xFFFFFFE0] =	vst v12;
	v9 =	vld.idx.msk [tilespmem:v38+s2+$0x0], $0xffff  }
0xbd: {  	v12 =	vadd.f32 v13, v28;
	v14 =	vmul.f32 v15, v20;
	v6 =	vld.idx.msk [tilespmem:v6+s2+$0x0], $0xffff  }
0xbe: {  	s29 =	sadd.s32 $0x80, s29;
	v13 =	vmul.f32 v18, v20;
	[tilespmem:s16+$0xFFFFFFF0] =	vst v16;
	v5 =	vld.idx.msk [tilespmem:v5+s2+$0x0], $0xffff  }
0xbf: {  	_ = 	snop  }
0xc0: {  	v7 =	vadd.f32 v14, v7;
	v10 =	vmul.f32 v10, v4  }
0xc1: {  	[tilespmem:s23+$0xFFFFFFF0] =	vst v12;
	v8 =	vadd.f32 v13, v8;
	v4 =	vmul.f32 v11, v4  }
0xc2: {  	[tilespmem:s16+$0x0] =	vst v7;
	v0 =	vadd.f32 v10, v0;
	v6 =	vmul.f32 v6, v9  }
0xc3: {  	[tilespmem:s23+$0x0] =	vst v8;
	v3 =	vadd.f32 v4, v3;
	v4 =	vmul.f32 v5, v9  }
0xc4: {  	[tilespmem:s16+$0x10] =	vst v0;
	v0 =	vadd.f32 v6, v1  }
0xc5: {  	[tilespmem:s23+$0x10] =	vst v3;
	v1 =	vadd.f32 v4, v2  }
0xc6: {  	[tilespmem:s16+$0x20] =	vst v0  }
0xc7: {  	s3 =	simm.s32 $0x80;
	[tilespmem:s23+$0x20] =	vst v1  }
0xc8: {  	s4 =	simm.s32 $0x400;
	s5 =	simm.s32 $0xB000;
	s0 =	rddreg [dreg:$0xd]  }
0xc9: {  	[spmem:s0] =	stream.strided.scatter [tilespmem:s5], [sflag:$0x5], $0x2000, s4, s3, $0x38;
	[tilespmem:$0x17400] =	vst v63  }
0xca: {  	_ =	swait.ge [sflag:s24], $0x2000  }
0xcb: {  	[sflag:s24] =	ssyncset.done $0x0  }
0xcc: {  	s25 =	simm.s32 $0xD000;
	s23 =	rddreg [dreg:$0xe];
	[sflag:s24] =	ssyncadd.s32 $0xFFFFE000  }
0xcd: {  	[spmem:s23] =	stream.strided.scatter [tilespmem:s25], [sflag:$0x5], $0x2000, s4, s3, $0x38;
	[tilespmem:$0x17400] =	vst v63  }
0xce: {  	_ =	swait.ge [sflag:s24], $0x2000  }
0xcf: {  	[sflag:s24] =	ssyncset.done $0x0  }
0xd0: {  	[sflag:s24] =	ssyncadd.s32 $0xFFFFE000  }
0xd1: {  	[bflag:$0x0] =	sbarrier.arrive $0xFFFF  }
0xd2: {  	s31 =	simm.s32 $0x1000;
	s5 =	simm.s32 $0xF400;
	s26 =	rddreg [dreg:$0xf]  }
0xd3: {  	[tilespmem:s5], [sflag:$0x5] =	stream.strided.gather [spmem:s26], $0x2000, s28, s31, $0x38;
	[tilespmem:$0x17400] =	vst v63  }
0xd4: {  	_ =	swait.ge [sflag:s24], $0x2000  }
0xd5: {  	[sflag:s24] =	ssyncset.done $0x0  }
0xd6: {  	s6 =	simm.s32 $0x11400;
	s16 =	simm.s32 $0x0;
	[sflag:s24] =	ssyncadd.s32 $0xFFFFE000  }
0xd7: {  	[tilespmem:s6], [sflag:$0x5] =	stream.strided.gather [spmem:s10], $0x2000, s28, s31, $0x38;
	[tilespmem:$0x17400] =	vst v63  }
0xd8: {  	s7 =	sand.u32 $0x60, s16;
	_ =	swait.ge [sflag:s24], $0x2000  }
0xd9: {  	s8 =	sand.u32 $0xC00, s16;
	s23 =	sor.u32 $0x10, s7;
	[sflag:s24] =	ssyncset.done $0x0  }
0xda: {  	s9 =	sor.u32 s8, s23;
	[sflag:s24] =	ssyncadd.s32 $0xFFFFE000  }
0xdb: {  	v0 =	vld [tilespmem:s9+$0x11400]  }
0xdc: {  	s0 =	sor.u32 s7, s8;
	v3 =	vld [tilespmem:s9+$0x11480]  }
0xdd: {  	v7 =	vld [tilespmem:s0+$0xF400]  }
0xde: {  	v10 =	vld [tilespmem:s9+$0x11500]  }
0xdf: {  	v11 =	vld [tilespmem:s0+$0x11400]  }
0xe0: {  	v12 =	vld [tilespmem:s9+$0x11580]  }
0xe1: {  	v13 =	vld [tilespmem:s0+$0xF480]  }
0xe2: {  	s14 =	sand.u32 $0x3, s16;
	v1 =	vld [tilespmem:s9+$0x10680]  }
0xe3: {  	s3 =	sshll.u32 s14, $0x5;
	v14 =	vld [tilespmem:s9+$0x11600]  }
0xe4: {  	s3 =	sadd.s32 $0x0, s3;
	v15 =	vld [tilespmem:s0+$0x11480]  }
0xe5: {  	s15 =	sadd.s32 $0x10, s3;
	v16 =	vld [tilespmem:s9+$0x11680]  }
0xe6: {  	s6 =	sor.u32 $0x300, s15;
	v17 =	vld [tilespmem:s0+$0xF500]  }
0xe7: {  	v18 =	vld [tilespmem:s6+$0x11400];
	[tilespmem:$0x1FFE0] =	vst v1  }
0xe8: {  	v1 =	vld [tilespmem:s9+$0x10600];
	_ =	sdelay $0x1  }
0xe9: {  	s7 =	sor.u32 $0x380, s15  }
0xea: {  	v19 =	vld [tilespmem:s7+$0x11400]  }
0xeb: {  	v9 =	vld [tilespmem:s9+$0x12680]  }
0xec: {  	v20 =	vld [tilespmem:s9+$0x12400];
	[tilespmem:$0x1FFD0] =	vst v1  }
0xed: {  	v21 =	vld [tilespmem:s9+$0x12480]  }
0xee: {  	v22 =	vld [tilespmem:s9+$0x12600]  }
0xef: {  	v23 =	vld [tilespmem:s9+$0x12500]  }
0xf0: {  	v1 =	vld [tilespmem:s9+$0x10580]  }
0xf1: {  	v24 =	vld [tilespmem:s9+$0x12580]  }
0xf2: {  	v8 =	vld [tilespmem:s9+$0x10500]  }
0xf3: {  	v25 =	vld [tilespmem:s9+$0x10480]  }
0xf4: {  	v26 =	vld [tilespmem:s9+$0x10400]  }
0xf5: {  	v27 =	vld [tilespmem:s9+$0xF680]  }
0xf6: {  	s8 =	sor.u32 $0x1300, s15;
	v28 =	vld [tilespmem:s9+$0xF600]  }
0xf7: {  	s5 =	sor.u32 $0x1380, s15;
	v29 =	vld [tilespmem:s8+$0x11400]  }
0xf8: {  	v2 =	vld [tilespmem:s5+$0xF400]  }
0xf9: {  	v30 =	vld [tilespmem:s9+$0xF580]  }
0xfa: {  	v31 =	vld [tilespmem:s5+$0x11400]  }
0xfb: {  	v32 =	vld [tilespmem:s9+$0xF500]  }
0xfc: {  	v33 =	vld [tilespmem:s9+$0xF400]  }
0xfd: {  	v34 =	vld [tilespmem:s9+$0xF480];
	[tilespmem:$0x1FFF0] =	vst v2  }
0xfe: {  	v2 =	vld [tilespmem:s8+$0xF400]  }
0xff: {  	s21 =	sand.u32 $0xFFFFFC00, s16;
	v35 =	vld [tilespmem:s7+$0xF400]  }
0x100: {  	s4 =	sadd.s32 $0x0, s21;
	v36 =	vld [tilespmem:s6+$0xF400]  }
0x101: {  	s22 =	sor.u32 $0x180, s4;
	v37 =	vld [tilespmem:s0+$0x11500]  }
0x102: {  	v38 =	vld [tilespmem:s22+$0xF400]  }
0x103: {  	v39 =	vld [tilespmem:s22+$0x11400]  }
0x104: {  	v40 =	vld [tilespmem:s0+$0xF600]  }
0x105: {  	v41 =	vld [tilespmem:s0+$0x11600]  }
0x106: {  	v42 =	vld [tilespmem:s0+$0xF680]  }
0x107: {  	s25 =	sor.u32 $0x300, s3;
	v43 =	vld [tilespmem:s0+$0x11680]  }
0x108: {  	s26 =	sor.u32 s16, s16;
	v44 =	vld [tilespmem:s25+$0xF400]  }
0x109: {  	s31 =	sor.u32 $0x380, s26;
	v45 =	vld [tilespmem:s25+$0x11400]  }
0x10a: {  	v46 =	vld [tilespmem:s31+$0xF400]  }
0x10b: {  	v47 =	vld [tilespmem:s31+$0x11400]  }
0x10c: {  	v48 =	vld [tilespmem:s0+$0x10400]  }
0x10d: {  	v49 =	vld [tilespmem:s0+$0x12400]  }
0x10e: {  	v50 =	vld [tilespmem:s0+$0x10480]  }
0x10f: {  	v51 =	vld [tilespmem:s0+$0x12480]  }
0x110: {  	v52 =	vld [tilespmem:s0+$0x10500]  }
0x111: {  	s4 =	sor.u32 $0x1180, s4;
	v53 =	vld [tilespmem:s0+$0x12500]  }
0x112: {  	v54 =	vld [tilespmem:s4+$0xF400]  }
0x113: {  	v55 =	vld [tilespmem:s4+$0x11400]  }
0x114: {  	v56 =	vld [tilespmem:s0+$0x10600]  }
0x115: {  	v57 =	vld [tilespmem:s0+$0x12600]  }
0x116: {  	v0 =	vadd.f32 v3, v0;
	v58 =	vld [tilespmem:s0+$0x10680]  }
0x117: {  	s3 =	sor.u32 $0x1300, s3;
	v59 =	vld [tilespmem:s0+$0x12680]  }
0x118: {  	v0 =	vadd.f32 v10, v0;
	v60 =	vld [tilespmem:s3+$0xF400]  }
0x119: {  	s14 =	simm.s32 $0x100;
	s5 =	sor.u32 $0x1380, s26;
	s25 =	simm.s32 $0x20;
	v61 =	vld [tilespmem:s3+$0x11400]  }
0x11a: {  	v0 =	vadd.f32 v12, v0;
	s7 =	sand.u32 $0xC00, s14;
	v62 =	vld [tilespmem:s5+$0xF400];
	s6 =	sand.u32 $0x60, s25  }
0x11b: {  	v63 =	vld [tilespmem:s5+$0x11400];
	s30 =	sor.u32 s6, s7  }
0x11c: {  	v0 =	vadd.f32 v14, v0;
	v6 =	vld [tilespmem:s30+$0xF400]  }
0x11d: {  	v5 =	vld [tilespmem:s30+$0x11400]  }
0x11e: {  	v0 =	vadd.f32 v16, v0;
	v4 =	vld [tilespmem:s30+$0xF480]  }
0x11f: {  	v33 =	vadd.f32 v34, v33;
	s29 =	sor.u32 $0x10, s6;
	v34 =	vld [tilespmem:s30+$0x11480]  }
0x120: {  	v0 =	vadd.f32 v18, v0;
	s8 =	sor.u32 s7, s29;
	v18 =	vld [tilespmem:s30+$0xF500]  }
0x121: {  	s15 =	simm.s32 $0x1;
	v3 =	vld [tilespmem:s8+$0x11400]  }
0x122: {  	s9 =	sand.u32 $0x3, s15;
	v10 =	vld [tilespmem:s8+$0x11480]  }
0x123: {  	s0 =	sshll.u32 s9, $0x5;
	v12 =	vld [tilespmem:s8+$0x11500]  }
0x124: {  	s0 =	sadd.s32 $0x100, s0;
	v14 =	vld [tilespmem:s8+$0x11580]  }
0x125: {  	s21 =	sadd.s32 $0x10, s0;
	v16 =	vld [tilespmem:s8+$0x11600]  }
0x126: {  	v7 =	vadd.f32 v13, v7;
	s22 =	sor.u32 $0x300, s21;
	v13 =	vld [tilespmem:s8+$0x11680]  }
0x127: {  	v32 =	vadd.f32 v32, v33;
	v33 =	vadd.f32 v19, v0;
	v19 =	vld [tilespmem:s22+$0x11400]  }
0x128: {  	v11 =	vadd.f32 v15, v11;
	v0 =	vld [tilespmem:s8+$0x10680]  }
0x129: {  	v7 =	vadd.f32 v17, v7;
	v17 =	vadd.f32 v20, v33;
	v20 =	vld [tilespmem:s8+$0x12680]  }
0x12a: {  	v15 =	vadd.f32 v30, v32;
	v30 =	vld [tilespmem:s8+$0x12400];
	v11 =	vadd.f32 v37, v11  }
0x12b: {  	v32 =	vld [tilespmem:s8+$0x12580]  }
0x12c: {  	v15 =	vadd.f32 v28, v15;
	v28 =	vld [tilespmem:s8+$0x12500];
	v39 =	vadd.f32 v39, v11  }
0x12d: {  	v7 =	vadd.f32 v38, v7;
	v17 =	vadd.f32 v21, v17;
	v11 =	vld [tilespmem:s8+$0x10600]  }
0x12e: {  	v15 =	vadd.f32 v27, v15;
	v27 =	vld [tilespmem:s8+$0x12480];
	v33 =	vadd.f32 v41, v39  }
0x12f: {  	v7 =	vadd.f32 v40, v7;
	v17 =	vadd.f32 v23, v17;
	v23 =	vld [tilespmem:s8+$0x12600]  }
0x130: {  	v40 =	vld [tilespmem:s8+$0xF500];
	v15 =	vadd.f32 v36, v15;
	v21 =	vadd.f32 v43, v33  }
0x131: {  	v17 =	vadd.f32 v24, v17;
	v24 =	vld [tilespmem:s8+$0x10500]  }
0x132: {  	v41 =	vld [tilespmem:s8+$0xF400];
	v15 =	vadd.f32 v35, v15;
	v21 =	vadd.f32 v45, v21  }
0x133: {  	v7 =	vadd.f32 v42, v7;
	v3 =	vadd.f32 v10, v3;
	v10 =	vld [tilespmem:s8+$0xF480]  }
0x134: {  	v42 =	vld [tilespmem:$0x1FFD0];
	v15 =	vadd.f32 v26, v15;
	v21 =	vadd.f32 v47, v21  }
0x135: {  	v36 =	vadd.f32 v44, v7;
	v7 =	vld [tilespmem:s8+$0x10580];
	v17 =	vadd.f32 v22, v17  }
0x136: {  	s26 =	sor.u32 $0x1380, s21;
	v22 =	vld [tilespmem:s8+$0x10400];
	v15 =	vadd.f32 v25, v15;
	v21 =	vadd.f32 v49, v21  }
0x137: {  	v4 =	vadd.f32 v4, v6;
	v5 =	vadd.f32 v34, v5;
	v43 =	vld [tilespmem:s26+$0x11400]  }
0x138: {  	v44 =	vld [tilespmem:$0x1FFE0];
	v8 =	vadd.f32 v8, v15;
	v39 =	vadd.f32 v51, v21  }
0x139: {  	s31 =	sor.u32 $0x380, s21;
	v3 =	vadd.f32 v12, v3;
	v37 =	vadd.f32 v46, v36;
	v26 =	vld [tilespmem:s8+$0x10480]  }
0x13a: {  	s5 =	sor.u32 $0x1300, s21;
	v45 =	vld [tilespmem:s31+$0x11400];
	v1 =	vadd.f32 v1, v8;
	v8 =	vadd.f32 v53, v39  }
0x13b: {  	v9 =	vadd.f32 v9, v17;
	v3 =	vadd.f32 v14, v3;
	v46 =	vld [tilespmem:s5+$0x11400]  }
0x13c: {  	v38 =	vadd.f32 v48, v37;
	v25 =	vld [tilespmem:s8+$0xF680];
	v8 =	vadd.f32 v55, v8  }
0x13d: {  	v9 =	vadd.f32 v29, v9;
	v29 =	vld [tilespmem:s8+$0xF600];
	v3 =	vadd.f32 v16, v3  }
0x13e: {  	v47 =	vld [tilespmem:s31+$0xF400];
	v17 =	vadd.f32 v50, v38;
	v8 =	vadd.f32 v57, v8  }
0x13f: {  	v4 =	vadd.f32 v18, v4;
	v48 =	vld [tilespmem:$0x1FFF0];
	v3 =	vadd.f32 v13, v3  }
0x140: {  	v50 =	vld [tilespmem:s30+$0x11500];
	v17 =	vadd.f32 v52, v17;
	v8 =	vadd.f32 v59, v8  }
0x141: {  	s6 =	sand.u32 $0xFFFFFC00, s14;
	v9 =	vadd.f32 v31, v9;
	v49 =	vld [tilespmem:s22+$0xF400];
	v3 =	vadd.f32 v19, v3  }
0x142: {  	s7 =	sadd.s32 $0x20, s6;
	v21 =	vld [tilespmem:s8+$0xF580];
	v17 =	vadd.f32 v54, v17;
	v8 =	vadd.f32 v61, v8  }
0x143: {  	s8 =	sor.u32 $0x180, s7;
	v52 =	vld [tilespmem:s30+$0xF600];
	v33 =	vadd.f32 v42, v1;
	v3 =	vadd.f32 v45, v3  }
0x144: {  	v6 =	vld [tilespmem:s8+$0x11400];
	v51 =	vadd.f32 v63, v8;
	v8 =	vadd.f32 v10, v41  }
0x145: {  	v5 =	vadd.f32 v50, v5;
	v17 =	vadd.f32 v56, v17;
	v10 =	vld [tilespmem:s8+$0xF400]  }
0x146: {  	v1 =	vld [tilespmem:s26+$0xF400];
	v12 =	vadd.f32 v44, v33;
	v8 =	vadd.f32 v40, v8  }
0x147: {  	v53 =	vld [tilespmem:s30+$0x11600];
	v3 =	vadd.f32 v30, v3;
	v17 =	vadd.f32 v58, v17  }
0x148: {  	s9 =	sor.u32 $0x300, s0;
	v54 =	vld [tilespmem:s30+$0xF680];
	v12 =	vadd.f32 v2, v12;
	v8 =	vadd.f32 v21, v8  }
0x149: {  	v55 =	vld [tilespmem:s9+$0x11400];
	v5 =	vadd.f32 v6, v5;
	v3 =	vadd.f32 v27, v3  }
0x14a: {  	s21 =	sor.u32 s25, s14;
	v4 =	vadd.f32 v10, v4;
	v10 =	vld [tilespmem:s30+$0x11680];
	v8 =	vadd.f32 v29, v8  }
0x14b: {  	s22 =	sor.u32 $0x380, s21;
	v6 =	vld [tilespmem:s9+$0xF400];
	v17 =	vadd.f32 v60, v17;
	v12 =	vadd.f32 v48, v12  }
0x14c: {  	v56 =	vld [tilespmem:s22+$0xF400];
	v4 =	vadd.f32 v52, v4;
	v8 =	vadd.f32 v25, v8  }
0x14d: {  	v2 =	vld [tilespmem:s5+$0xF400];
	v5 =	vadd.f32 v53, v5;
	v3 =	vadd.f32 v28, v3  }
0x14e: {  	v57 =	vld [tilespmem:s22+$0x11400];
	v4 =	vadd.f32 v54, v4;
	v8 =	vadd.f32 v49, v8  }
0x14f: {  	v17 =	vadd.f32 v62, v17;
	v5 =	vadd.f32 v10, v5;
	v10 =	vld [tilespmem:s30+$0x10400]  }
0x150: {  	v4 =	vadd.f32 v6, v4;
	v6 =	vld [tilespmem:s30+$0x12400];
	v8 =	vadd.f32 v47, v8  }
0x151: {  	v58 =	vld [tilespmem:s30+$0x10480];
	v3 =	vadd.f32 v32, v3;
	v5 =	vadd.f32 v55, v5  }
0x152: {  	v59 =	vld [tilespmem:s30+$0x12480];
	v4 =	vadd.f32 v56, v4;
	v8 =	vadd.f32 v22, v8  }
0x153: {  	v60 =	vld [tilespmem:s30+$0x10500];
	v3 =	vadd.f32 v23, v3;
	v5 =	vadd.f32 v57, v5  }
0x154: {  	s3 =	sor.u32 $0x1180, s7;
	v4 =	vadd.f32 v10, v4;
	v10 =	vld [tilespmem:s30+$0x12500];
	v8 =	vadd.f32 v26, v8  }
0x155: {  	s26 =	sand.u32 $0x180, s16;
	v61 =	vld [tilespmem:s3+$0xF400];
	v3 =	vadd.f32 v20, v3;
	v5 =	vadd.f32 v6, v5  }
0x156: {  	s4 =	sor.u32 s26, s23;
	v62 =	vld [tilespmem:s3+$0x11400];
	v4 =	vadd.f32 v58, v4;
	v6 =	vadd.f32 v24, v8  }
0x157: {  	[tilespmem:s4+$0xF200] =	vst v9;
	v3 =	vadd.f32 v46, v3;
	v5 =	vadd.f32 v59, v5;
	v8 =	vld [tilespmem:s30+$0x10600]  }
0x158: {  	s16 =	simm.s32 $0xF000;
	[tilespmem:s4+$0xF000] =	vst v12;
	v9 =	vadd.f32 v60, v4;
	v4 =	vld [tilespmem:s30+$0x12600];
	v7 =	vadd.f32 v7, v6  }
0x159: {  	s31 =	sand.u32 $0x180, s25;
	s23 =	simm.s32 $0xF200;
	[tilespmem:s16+$0x0] =	vst v17;
	v3 =	vadd.f32 v43, v3;
	v63 =	vadd.f32 v10, v5;
	v6 =	vld [tilespmem:s30+$0x10680]  }
0x15a: {  	s0 =	sor.u32 $0x1300, s0;
	s4 =	sor.u32 s31, s29;
	[tilespmem:s23+$0x0] =	vst v51;
	v5 =	vld [tilespmem:s30+$0x12680];
	v9 =	vadd.f32 v61, v9;
	v10 =	vadd.f32 v11, v7  }
0x15b: {  	s25 =	simm.s32 $0x2;
	s29 =	sor.u32 $0x1380, s21;
	[tilespmem:s4+$0xF200] =	vst v3;
	v3 =	vld [tilespmem:s0+$0xF400];
	s30 =	simm.s32 $0x40;
	v7 =	vadd.f32 v62, v63  }
.LBB2_4:
0x15c: {  	s3 =	sand.u32 $0x60, s30;
	v8 =	vadd.f32 v8, v9;
	v9 =	vld [tilespmem:s0+$0x11400];
	v0 =	vadd.f32 v0, v10;
	s14 =	sadd.s32 $0x100, s14  }
0x15d: {  	s25 =	sadd.s32 $0x2, s25;
	s0 =	sand.u32 $0xC00, s14;
	s6 =	sor.u32 $0x10, s3;
	v4 =	vadd.f32 v4, v7;
	v7 =	vld [tilespmem:s29+$0xF400]  }
0x15e: {  	p0 =	slt.u32 s25, $0x1E;
	s31 =	sor.u32 s3, s0;
	s21 =	sor.u32 s0, s6;
	v6 =	vadd.f32 v6, v8;
	v8 =	vld [tilespmem:s29+$0x11400];
	v0 =	vadd.f32 v2, v0  }
0x15f: {  	s0 =	sand.u32 $0xFFFFFC00, s14;
	s3 =	sor.u32 s30, s14;
	v2 =	vld [tilespmem:s21+$0x11400];
	v4 =	vadd.f32 v5, v4  }
0x160: {  	s0 =	sadd.s32 s0, s30;
	s5 =	sor.u32 $0x380, s3;
	s29 =	sor.u32 $0x1380, s3;
	v5 =	vld [tilespmem:s21+$0x11480];
	v3 =	vadd.f32 v3, v6;
	v0 =	vadd.f32 v1, v0  }
0x161: {  	s7 =	sor.u32 $0x180, s0;
	s3 =	sor.u32 $0x1180, s0;
	v1 =	vld [tilespmem:s31+$0xF400];
	v4 =	vadd.f32 v9, v4  }
0x162: {  	v6 =	vld [tilespmem:s21+$0x11500];
	v3 =	vadd.f32 v7, v3;
	[tilespmem:s4+$0xF000] =	vst v0  }
0x163: {  	s16 =	sadd.s32 $0x20, s16;
	v7 =	vld [tilespmem:s31+$0x11400];
	v0 =	vadd.f32 v8, v4  }
0x164: {  	s15 =	sadd.s32 $0x1, s15;
	s23 =	sadd.s32 $0x20, s23;
	v4 =	vld [tilespmem:s21+$0x11580];
	[tilespmem:s16+$0x0] =	vst v3  }
0x165: {  	s0 =	sand.u32 $0x3, s15;
	v3 =	vld [tilespmem:s31+$0xF480];
	v2 =	vadd.f32 v5, v2;
	[tilespmem:s23+$0x0] =	vst v0  }
0x166: {  	s0 =	sshll.u32 s0, $0x5;
	v0 =	vld [tilespmem:s21+$0x11600]  }
0x167: {  	s4 =	sadd.s32 s0, s14;
	v5 =	vld [tilespmem:s31+$0x11480];
	v2 =	vadd.f32 v6, v2  }
0x168: {  	s22 =	sor.u32 $0x300, s4;
	s0 =	sor.u32 $0x1300, s4;
	s9 =	sadd.s32 $0x10, s4;
	v6 =	vld [tilespmem:s21+$0x11680]  }
0x169: {  	s8 =	sor.u32 $0x300, s9;
	v8 =	vld [tilespmem:s31+$0xF500];
	v2 =	vadd.f32 v4, v2  }
0x16a: {  	v1 =	vadd.f32 v3, v1;
	v3 =	vld [tilespmem:s8+$0x11400]  }
0x16b: {  	s4 =	sor.u32 $0x380, s9;
	v2 =	vadd.f32 v0, v2;
	v0 =	vld [tilespmem:s21+$0x10680]  }
0x16c: {  	v4 =	vadd.f32 v5, v7;
	v5 =	vld [tilespmem:s4+$0x11400]  }
0x16d: {  	v2 =	vadd.f32 v6, v2;
	v6 =	vld [tilespmem:s21+$0x12680]  }
0x16e: {  	v7 =	vadd.f32 v8, v1;
	v1 =	vld [tilespmem:s21+$0x12400]  }
0x16f: {  	v2 =	vadd.f32 v3, v2;
	v3 =	vld [tilespmem:s21+$0x10600]  }
0x170: {  	v8 =	vld [tilespmem:s21+$0x12480]  }
0x171: {  	v2 =	vadd.f32 v5, v2;
	v5 =	vld [tilespmem:s21+$0x12600]  }
0x172: {  	v9 =	vld [tilespmem:s21+$0x12500]  }
0x173: {  	v1 =	vadd.f32 v1, v2;
	v10 =	vld [tilespmem:s21+$0x10580]  }
0x174: {  	v2 =	vld [tilespmem:s21+$0x12580]  }
0x175: {  	v1 =	vadd.f32 v8, v1;
	v8 =	vld [tilespmem:s21+$0x10500]  }
0x176: {  	v11 =	vld [tilespmem:s21+$0x10480]  }
0x177: {  	v12 =	vld [tilespmem:s21+$0x10400];
	v1 =	vadd.f32 v9, v1  }
0x178: {  	v9 =	vld [tilespmem:s21+$0xF680]  }
0x179: {  	s26 =	sor.u32 $0x1300, s9;
	v13 =	vld [tilespmem:s21+$0xF600];
	v1 =	vadd.f32 v2, v1  }
0x17a: {  	v2 =	vld [tilespmem:s26+$0x11400]  }
0x17b: {  	s9 =	sor.u32 $0x1380, s9;
	v14 =	vld [tilespmem:s21+$0xF580];
	v1 =	vadd.f32 v5, v1  }
0x17c: {  	v5 =	vld [tilespmem:s9+$0x11400]  }
0x17d: {  	v15 =	vld [tilespmem:s21+$0xF500];
	v1 =	vadd.f32 v6, v1  }
0x17e: {  	v6 =	vld [tilespmem:s21+$0xF400]  }
0x17f: {  	v16 =	vld [tilespmem:s21+$0xF480];
	v17 =	vadd.f32 v2, v1  }
0x180: {  	v1 =	vld [tilespmem:s9+$0xF400]  }
0x181: {  	s9 =	sand.u32 $0x180, s30;
	v2 =	vld [tilespmem:s26+$0xF400];
	v5 =	vadd.f32 v5, v17  }
0x182: {  	v17 =	vld [tilespmem:s4+$0xF400];
	s4 =	sor.u32 s9, s6  }
0x183: {  	v18 =	vld [tilespmem:s8+$0xF400];
	[tilespmem:s4+$0xF200] =	vst v5  }
0x184: {  	v5 =	vld [tilespmem:s31+$0x11500];
	v6 =	vadd.f32 v16, v6  }
0x185: {  	v16 =	vld [tilespmem:s7+$0xF400]  }
0x186: {  	v19 =	vld [tilespmem:s7+$0x11400];
	v6 =	vadd.f32 v15, v6  }
0x187: {  	v15 =	vld [tilespmem:s31+$0xF600]  }
0x188: {  	v20 =	vld [tilespmem:s31+$0x11600];
	v6 =	vadd.f32 v14, v6  }
0x189: {  	v4 =	vadd.f32 v5, v4;
	v5 =	vld [tilespmem:s31+$0xF680]  }
0x18a: {  	v7 =	vadd.f32 v16, v7;
	v14 =	vld [tilespmem:s31+$0x11680];
	v6 =	vadd.f32 v13, v6  }
0x18b: {  	v4 =	vadd.f32 v19, v4;
	v13 =	vld [tilespmem:s22+$0xF400]  }
0x18c: {  	v7 =	vadd.f32 v15, v7;
	v15 =	vld [tilespmem:s22+$0x11400];
	v6 =	vadd.f32 v9, v6  }
0x18d: {  	v4 =	vadd.f32 v20, v4;
	v9 =	vld [tilespmem:s5+$0xF400]  }
0x18e: {  	v5 =	vadd.f32 v5, v7;
	v7 =	vld [tilespmem:s5+$0x11400];
	v6 =	vadd.f32 v18, v6  }
0x18f: {  	v4 =	vadd.f32 v14, v4;
	v14 =	vld [tilespmem:s31+$0x10400]  }
0x190: {  	v5 =	vadd.f32 v13, v5;
	v13 =	vld [tilespmem:s31+$0x12400];
	v6 =	vadd.f32 v17, v6  }
0x191: {  	v4 =	vadd.f32 v15, v4;
	v15 =	vld [tilespmem:s31+$0x10480]  }
0x192: {  	v5 =	vadd.f32 v9, v5;
	v9 =	vld [tilespmem:s31+$0x12480];
	v6 =	vadd.f32 v12, v6  }
0x193: {  	v4 =	vadd.f32 v7, v4;
	v7 =	vld [tilespmem:s31+$0x10500]  }
0x194: {  	v5 =	vadd.f32 v14, v5;
	v12 =	vld [tilespmem:s31+$0x12500];
	v6 =	vadd.f32 v11, v6  }
0x195: {  	v4 =	vadd.f32 v13, v4;
	v11 =	vld [tilespmem:s3+$0xF400]  }
0x196: {  	v5 =	vadd.f32 v15, v5;
	v13 =	vld [tilespmem:s3+$0x11400];
	v6 =	vadd.f32 v8, v6  }
.Ltmp1:
0x197: {  	v9 =	vadd.f32 v9, v4;
	v8 =	vld [tilespmem:s31+$0x10600];
	(pc) =	sbr.rel @p0 .LBB2_4-.Ltmp1, $4  }
0x198: {  	v5 =	vadd.f32 v7, v5;
	v4 =	vld [tilespmem:s31+$0x12600];
	v7 =	vadd.f32 v10, v6  }
0x199: {  	v12 =	vadd.f32 v12, v9;
	v6 =	vld [tilespmem:s31+$0x10680]  }
0x19a: {  	v9 =	vadd.f32 v11, v5;
	v5 =	vld [tilespmem:s31+$0x12680];
	v10 =	vadd.f32 v3, v7  }
0x19b: {  	s30 =	sadd.s32 $0x20, s30;
	v7 =	vadd.f32 v13, v12;
	v3 =	vld [tilespmem:s0+$0xF400]  }
0x19c: {  	v8 =	vadd.f32 v8, v9;
	v57 =	vld [tilespmem:s0+$0x11400]  }
0x19d: {  	v0 =	vadd.f32 v0, v10;
	v58 =	vld [tilespmem:s29+$0xF400];
	v4 =	vadd.f32 v4, v7  }
0x19e: {  	v59 =	vld [tilespmem:s29+$0x11400];
	v6 =	vadd.f32 v6, v8  }
0x19f: {  	v0 =	vadd.f32 v2, v0;
	v60 =	vadd.f32 v5, v4  }
0x1a0: {  	v3 =	vadd.f32 v3, v6  }
0x1a1: {  	v0 =	vadd.f32 v1, v0;
	v61 =	vadd.f32 v57, v60  }
0x1a2: {  	v62 =	vadd.f32 v58, v3  }
0x1a3: {  	s26 =	sadd.s32 $0x20, s16;
	[tilespmem:s4+$0xF000] =	vst v0;
	v63 =	vadd.f32 v59, v61  }
0x1a4: {  	s29 =	sadd.s32 $0x20, s23;
	[tilespmem:s26+$0x0] =	vst v62  }
0x1a5: {  	s30 =	simm.s32 $0xF000;
	[tilespmem:s29+$0x0] =	vst v63  }
0x1a6: {  	[hbm4b:s11+s2] =	stream.linear.scatter [tilespmem:s30], [sflag:$0x5], $0x200, $0x38;
	[tilespmem:$0x17400] =	vst v63  }
0x1a7: {  	s1 =	sadd.s32 $0x1, s1;
	_ =	swait.ge [sflag:s24], $0x200  }
0x1a8: {  	p0 =	sne.s32 s1, s13;
	[sflag:s24] =	ssyncset.done $0x0  }
.Ltmp2:
0x1a9: {  	s31 =	simm.s32 $0xF200;
	[sflag:s24] =	ssyncadd.s32 $0xFFFFFE00;
	(pc) =	sbr.rel @p0 .LBB2_1-.Ltmp2, $4  }
0x1aa: {  	[hbm4b:s12+s2] =	stream.linear.scatter [tilespmem:s31], [sflag:$0x5], $0x200, $0x38;
	[tilespmem:$0x17400] =	vst v63  }
0x1ab: {  	_ =	swait.ge [sflag:s24], $0x200  }
0x1ac: {  	[sflag:s24] =	ssyncset.done $0x0  }
0x1ad: {  	[sflag:s24] =	ssyncadd.s32 $0xFFFFFE00  }
0x1ae: {  	_ =	sfence.sel $0x180000  }
0x1af: {  	[bflag:$0x0] =	sbarrier.arrive $0xFFFF  }
0x1b0: {  	_ =	strace $0x90000047  }
0x1b1: {  	s0 =	stileid.u32;
	[bflag:$0x2] =	sbarrier.arrive $0xFFFF  }
0x1b2: {  	p0 =	sne.s32 s0, $0x0;
	s0 =	rddreg [dreg:$0x8]  }
0x1b3: {  	s0 =	sadd.s32 @!p0 $0x100000, s0  }
0x1b4: {  	[sflag:s0] =	ssyncadd.tile.s32 @!p0 $0x1;
	_ =	shalt  }
.Lfunc_end2:
_tile_overlayer_lowered:
.L_overlay_start_2:
0x1b5: {  	(tag) =	ssettag $0x2  }
0x1b6: {  	s0 =	rddreg [dreg:$0x0];
	s2 =	stileid.u32  }
0x1b7: {  	s1 =	rddreg [dreg:$0x1];
	p0 =	sne.s32 s2, $0x0  }
0x1b8: {  	s3 =	rddreg [dreg:$0x2];
	[bflag:$0x3] =	sbarrier.arrive $0xFFFF;
	s2 =	simm.s32 @!p0 $0x1C05  }
0x1b9: {  	[timem:s3], [sflag:s2] =	dma.local @!p0 [hbm:s0], s1  }
0x1ba: {  	s0 =	simm.s32 @!p0 $0x5  }
0x1bb: {  	_ =	swait.ge @!p0 [sflag:s0], s1  }
0x1bc: {  	s1 =	ssub.s32 @!p0 $0x0, s1;
	[sflag:s0] =	ssyncset.done @!p0 $0x0  }
0x1bd: {  	[sflag:s0] =	ssyncadd.s32 @!p0 s1  }
0x1be: {  	[bflag:$0x3] =	sbarrier.arrive $0xFFFF  }
0x1bf: {  	_ =	shalt  }

</sc_bundles>
